<compile_context>
chip_gen: v7x
topology: tpu7x:2x2x1
jax: 0.10.2.dev20260603
libtpu: 0.0.44.dev20260713+nightly
codegen_flags: <defaults>
</compile_context>

<pallas_src>
import functools
import math

import jax
import jax.numpy as jnp
from jax import lax
from jax.experimental import pallas as pl
from jax.experimental.pallas import tpu as pltpu
import jax.experimental.pallas.tpu_sc as plsc

SCALE_POSE = 10.0
SCALE_RADAR_V = 5.0
L_MIN = 2 * math.log(0.03 / SCALE_POSE + 1e-09)
L_MAX = 2 * math.log(0.5 / SCALE_POSE + 1e-09)
R_MIN = 2 * math.log(0.1 / SCALE_RADAR_V + 1e-09)
R_MAX = 2 * math.log(5.0 / SCALE_RADAR_V + 1e-09)
RADIUS_CROSS = 0.6 / SCALE_POSE
GHOST = RADIUS_CROSS ** 2

N_LIDAR = 100000
E_LIDAR = 1600000
N_ACC = 102400
NW = 32
NS = 16
LANE = 128
NBATCH = 16
NCHUNK = 25
E_TILE = NCHUNK * NBATCH * LANE
E_PAD = NW * E_TILE
ROWS_PER_TILE = N_ACC // NS


def _lidar_sc_body(table_hbm, src_hbm, dst_hbm, zeros_hbm, out_hbm,
                   idxs_v, idxd_v, rows_v, acc_sh, sems):
    c = lax.axis_index("c")
    s = lax.axis_index("s")
    pltpu.sync_copy(zeros_hbm, acc_sh.at[pl.ds(s * ROWS_PER_TILE,
                                               ROWS_PER_TILE)])
    plsc.subcore_barrier()

    def chunk(ch, _):
        pltpu.sync_copy(src_hbm.at[c, s, ch], idxs_v)
        pltpu.sync_copy(dst_hbm.at[c, s, ch], idxd_v)
        descs = [None, None]
        descs[0] = pltpu.async_copy(table_hbm.at[idxs_v.at[0]],
                                    rows_v.at[0], sems.at[0])
        for j in range(NBATCH):
            descs[j % 2].wait()
            if j + 1 < NBATCH:
                descs[(j + 1) % 2] = pltpu.async_copy(
                    table_hbm.at[idxs_v.at[j + 1]],
                    rows_v.at[(j + 1) % 2], sems.at[(j + 1) % 2])
            pltpu.sync_copy(rows_v.at[j % 2], acc_sh.at[idxd_v.at[j]],
                            add=True)
        return ()

    lax.fori_loop(0, NCHUNK, chunk, ())
    plsc.subcore_barrier()
    pltpu.sync_copy(acc_sh.at[pl.ds(s * ROWS_PER_TILE, ROWS_PER_TILE)],
                    out_hbm.at[c].at[pl.ds(s * ROWS_PER_TILE, ROWS_PER_TILE)])


@functools.partial(jax.jit, static_argnums=())
def _lidar_sc(table, src_idx, dst_idx, zeros_stripe):
    mesh = plsc.VectorSubcoreMesh(core_axis_name="c", subcore_axis_name="s")
    k = pl.kernel(
        _lidar_sc_body,
        out_type=jax.ShapeDtypeStruct((2, N_ACC, 8), jnp.float32),
        mesh=mesh,
        scratch_types=[
            pltpu.VMEM((NBATCH, LANE), jnp.int32),
            pltpu.VMEM((NBATCH, LANE), jnp.int32),
            pltpu.VMEM((2, LANE, 8), jnp.float32),
            pltpu.VMEM_SHARED((N_ACC, 8), jnp.float32),
            pltpu.SemaphoreType.DMA((2,)),
        ],
        compiler_params=pltpu.CompilerParams(use_tc_tiling_on_sc=False, needs_layout_passes=False),
    )
    return k(table, src_idx, dst_idx, zeros_stripe)


BLK = 1024
NBLK = N_ACC // BLK


def _lidar_tc_body(acc0_ref, acc1_ref, table_ref, out_ref):
    i = pl.program_id(0)
    a = acc0_ref[...] + acc1_ref[...]
    t = table_ref[...]
    lv = jnp.clip(t[5:6, :], L_MIN, L_MAX)
    c1 = jnp.maximum(a[4:5, :], 1.0)
    mean_pos = a[0:3, :] / c1
    mean_int = a[3:4, :] / c1
    pos = t[0:3, :]
    ci = t[3:4, :]
    valid = t[4:5, :]
    res_pos = jnp.sum((pos - mean_pos) ** 2, axis=0, keepdims=True)
    res_int = (ci - mean_int) ** 2
    prec = jnp.exp(-lv)
    s1 = jnp.sum(valid * 0.5 * prec * res_pos)
    s2 = jnp.sum(valid * 0.5 * prec * res_int)
    s3 = jnp.sum(valid * 0.5 * lv)
    col = lax.broadcasted_iota(jnp.int32, (8, 128), 1)
    row = lax.broadcasted_iota(jnp.int32, (8, 128), 0)
    sel = row == 0
    part = (jnp.where(sel & (col == 0), s1, 0.0)
            + jnp.where(sel & (col == 1), s2, 0.0)
            + jnp.where(sel & (col == 2), s3, 0.0))

    @pl.when(i == 0)
    def _():
        out_ref[...] = jnp.zeros_like(out_ref)

    out_ref[...] += part


def _lidar_tc(acc0T, acc1T, tableT):
    return pl.pallas_call(
        _lidar_tc_body,
        grid=(NBLK,),
        in_specs=[
            pl.BlockSpec((8, BLK), lambda i: (0, i)),
            pl.BlockSpec((8, BLK), lambda i: (0, i)),
            pl.BlockSpec((8, BLK), lambda i: (0, i)),
        ],
        out_specs=pl.BlockSpec((8, 128), lambda i: (0, 0)),
        out_shape=jax.ShapeDtypeStruct((8, 128), jnp.float32),
    )(acc0T, acc1T, tableT)



N_RADAR = 20000
N_RACC = 20480
E_T = 100000
E_TP = 102400
T_TILE = E_TP // NS
E_C = 200000
E_CP = 204800
C_HALF = 6400
R_STRIPE = N_RACC // NS


def _radar_gather_body(rtab_hbm, ltab_hbm, tsrc_hbm, tdst_hbm, csrc_hbm,
                       cdst_hbm, s_out, d_out, cr_out, cl_out,
                       ibuf, rows_v, sem):
    c = lax.axis_index("c")
    s = lax.axis_index("s")

    def run(idx_hbm, tab_hbm, out_hbm, half):
        pltpu.sync_copy(idx_hbm, ibuf)

        def body(b, _):
            pltpu.async_copy(
                tab_hbm.at[ibuf.at[pl.ds(b * 128, 128)]], rows_v, sem).wait()
            pltpu.sync_copy(
                rows_v, out_hbm.at[pl.ds(half * C_HALF + b * 128, 128)])
            return ()
        lax.fori_loop(0, T_TILE // 128, body, ())

    run(tsrc_hbm.at[c, s], rtab_hbm,
        s_out.at[c].at[pl.ds(s * T_TILE, T_TILE)], 0)
    run(tdst_hbm.at[c, s], rtab_hbm,
        d_out.at[c].at[pl.ds(s * T_TILE, T_TILE)], 0)
    for h in range(2):
        run(csrc_hbm.at[c, s, h], rtab_hbm,
            cr_out.at[c].at[pl.ds(s * 2 * C_HALF, 2 * C_HALF)], h)
        run(cdst_hbm.at[c, s, h], ltab_hbm,
            cl_out.at[c].at[pl.ds(s * 2 * C_HALF, 2 * C_HALF)], h)


def _radar_gather(rtab, ltab, tsrc, tdst, csrc, cdst):
    mesh = plsc.VectorSubcoreMesh(core_axis_name="c", subcore_axis_name="s")
    k = pl.kernel(
        _radar_gather_body,
        out_type=(
            jax.ShapeDtypeStruct((2, E_TP, 8), jnp.float32),
            jax.ShapeDtypeStruct((2, E_TP, 8), jnp.float32),
            jax.ShapeDtypeStruct((2, E_CP, 8), jnp.float32),
            jax.ShapeDtypeStruct((2, E_CP, 8), jnp.float32),
        ),
        mesh=mesh,
        scratch_types=[
            pltpu.VMEM((T_TILE,), jnp.int32),
            pltpu.VMEM((128, 8), jnp.float32),
            pltpu.SemaphoreType.DMA,
        ],
        compiler_params=pltpu.CompilerParams(use_tc_tiling_on_sc=False, needs_layout_passes=False),
    )
    return k(rtab, ltab, tsrc, tdst, csrc, cdst)


TBLK = 2048


def _radar_temp_tc_body(st_ref, dt_ref, gt_ref, out_ref):
    sb = st_ref[...]
    db = dt_ref[...]
    g = gt_ref[...]
    move = db[0:3, :] - sb[0:3, :]
    norm = jnp.sqrt(jnp.sum(move ** 2, axis=0, keepdims=True))
    unit = move / (norm + 1e-09)
    speed = jnp.abs(sb[3:4, :])
    ndt = jnp.maximum(sb[4:5, :], 0.01)
    pred = sb[0:3, :] + speed * unit * ndt
    a2 = jnp.sum(pred ** 2, axis=0, keepdims=True)
    b2 = jnp.sum(g[0:3, :] ** 2, axis=0)
    dots = lax.dot_general(pred, g[0:3, :],
                           (((0,), (0,)), ((), ())))
    d2 = jnp.maximum(a2.reshape(TBLK, 1) + b2[None, :] - 2.0 * dots, 0.0)
    md2 = jnp.min(d2, axis=1)
    out_ref[...] = md2.reshape(16, 128)


def _radar_temp_tc(sT, dT, gt8):
    return pl.pallas_call(
        _radar_temp_tc_body,
        grid=(E_TP // TBLK,),
        in_specs=[
            pl.BlockSpec((8, TBLK), lambda i: (0, i)),
            pl.BlockSpec((8, TBLK), lambda i: (0, i)),
            pl.BlockSpec((8, 256), lambda i: (0, 0)),
        ],
        out_specs=pl.BlockSpec((16, 128), lambda i: (i, 0)),
        out_shape=jax.ShapeDtypeStruct((E_TP // 128, 128), jnp.float32),
    )(sT, dT, gt8)


def _radar_cross_tc_body(cr_ref, cl_ref, d2_ref, vl_ref):
    cr = cr_ref[...]
    cl = cl_ref[...]
    d2 = jnp.sum((cr[0:3, :] - cl[0:3, :]) ** 2, axis=0)
    vld = cr[6, :]
    d2_ref[...] = (d2 * vld).reshape(16, 128)
    vl_ref[...] = vld.reshape(16, 128)


def _radar_cross_tc(crT, clT):
    return pl.pallas_call(
        _radar_cross_tc_body,
        grid=(E_CP // TBLK,),
        in_specs=[
            pl.BlockSpec((8, TBLK), lambda i: (0, i)),
            pl.BlockSpec((8, TBLK), lambda i: (0, i)),
        ],
        out_specs=[
            pl.BlockSpec((16, 128), lambda i: (i, 0)),
            pl.BlockSpec((16, 128), lambda i: (i, 0)),
        ],
        out_shape=[
            jax.ShapeDtypeStruct((E_CP // 128, 128), jnp.float32),
            jax.ShapeDtypeStruct((E_CP // 128, 128), jnp.float32),
        ],
    )(crT, clT)


def _radar_scatter_body(tsrc_hbm, md2_hbm, cidx_hbm, d2m_hbm, vld_hbm,
                        zeros_hbm, neg_hbm, phys_out, racc_out,
                        eid_out, val_out,
                        srcbuf, md2buf, eidtab, valtab, scr16,
                        cidxbuf, d2buf, vldbuf, stage, tb, wb,
                        beste, bestv, physbuf, acc_sh):
    c = lax.axis_index("c")
    s = lax.axis_index("s")
    io = lax.iota(jnp.int32, 16)
    zeros16 = jnp.zeros((16,), jnp.int32)
    ones16 = jnp.full((16,), 1, jnp.int32)

    pltpu.sync_copy(zeros_hbm, acc_sh.at[pl.ds(s * R_STRIPE, R_STRIPE)])
    pltpu.sync_copy(neg_hbm, eidtab)
    plsc.subcore_barrier()

    pltpu.sync_copy(tsrc_hbm.at[c, s], srcbuf)
    pltpu.sync_copy(md2_hbm.at[c, s], md2buf)
    base = s * T_TILE

    def tscan(v, _):
        sv = srcbuf[pl.ds(v * 16, 16)]
        mv = md2buf[pl.ds(v * 16, 16)]
        scr16[...] = sv
        bad = sv != sv
        for k in range(1, 16):
            idxk = jnp.minimum(io + k, 15)
            sh = plsc.load_gather(scr16, [idxk])
            bad = bad | ((sh == sv) & (io < 16 - k))
        keep = jnp.logical_not(bad)
        ev = base + v * 16 + io
        plsc.store_scatter(eidtab, [sv], ev, mask=keep)
        plsc.store_scatter(valtab, [sv], mv, mask=keep)
        return ()
    lax.fori_loop(0, T_TILE // 16, tscan, ())
    pltpu.sync_copy(eidtab, eid_out.at[c, s])
    pltpu.sync_copy(valtab, val_out.at[c, s])

    def half(h):
        pltpu.sync_copy(cidx_hbm.at[c, s, h], cidxbuf)
        pltpu.sync_copy(d2m_hbm.at[c, s, h], d2buf)
        pltpu.sync_copy(vld_hbm.at[c, s, h], vldbuf)

        def batch(g, _):
            for j in range(8):
                d2v = d2buf[pl.ds(g * 128 + j * 16, 16)]
                vlv = vldbuf[pl.ds(g * 128 + j * 16, 16)]
                rows16 = j * 16 + io
                plsc.store_scatter(stage, [rows16, zeros16], d2v)
                plsc.store_scatter(stage, [rows16, ones16], vlv)
            pltpu.sync_copy(stage, acc_sh.at[cidxbuf.at[g]], add=True)
            return ()
        lax.fori_loop(0, 50, batch, ())
    half(0)
    half(1)
    plsc.subcore_barrier()

    for t in range(NS):
        pltpu.sync_copy(eid_out.at[c, t].at[pl.ds(s * R_STRIPE, R_STRIPE)],
                        tb)
        pltpu.sync_copy(val_out.at[c, t].at[pl.ds(s * R_STRIPE, R_STRIPE)],
                        wb)
        if t == 0:
            def init(v, _):
                beste[pl.ds(v * 16, 16)] = tb[pl.ds(v * 16, 16)]
                bestv[pl.ds(v * 16, 16)] = wb[pl.ds(v * 16, 16)]
                return ()
            lax.fori_loop(0, R_STRIPE // 16, init, ())
        else:
            def upd(v, _):
                et = tb[pl.ds(v * 16, 16)]
                vt = wb[pl.ds(v * 16, 16)]
                be = beste[pl.ds(v * 16, 16)]
                m = et > be
                beste[pl.ds(v * 16, 16)] = jnp.where(m, et, be)
                bestv[pl.ds(v * 16, 16)] = jnp.where(
                    m, vt, bestv[pl.ds(v * 16, 16)])
                return ()
            lax.fori_loop(0, R_STRIPE // 16, upd, ())

    def finph(v, _):
        physbuf[pl.ds(v * 16, 16)] = jnp.where(
            beste[pl.ds(v * 16, 16)] >= 0, bestv[pl.ds(v * 16, 16)],
            jnp.zeros((16,), jnp.float32))
        return ()
    lax.fori_loop(0, R_STRIPE // 16, finph, ())
    pltpu.sync_copy(physbuf, phys_out.at[c].at[pl.ds(s * R_STRIPE, R_STRIPE)])
    pltpu.sync_copy(acc_sh.at[pl.ds(s * R_STRIPE, R_STRIPE)],
                    racc_out.at[c].at[pl.ds(s * R_STRIPE, R_STRIPE)])


def _radar_scatter(tsrc, md2, cidx, d2m, vld, zeros_stripe, neg1):
    mesh = plsc.VectorSubcoreMesh(core_axis_name="c", subcore_axis_name="s")
    k = pl.kernel(
        _radar_scatter_body,
        out_type=(
            jax.ShapeDtypeStruct((2, N_RACC), jnp.float32),
            jax.ShapeDtypeStruct((2, N_RACC, 8), jnp.float32),
            jax.ShapeDtypeStruct((2, NS, N_RACC), jnp.int32),
            jax.ShapeDtypeStruct((2, NS, N_RACC), jnp.float32),
        ),
        mesh=mesh,
        scratch_types=[
            pltpu.VMEM((T_TILE,), jnp.int32),
            pltpu.VMEM((T_TILE,), jnp.float32),
            pltpu.VMEM((N_RACC,), jnp.int32),
            pltpu.VMEM((N_RACC,), jnp.float32),
            pltpu.VMEM((16,), jnp.int32),
            pltpu.VMEM((50, 128), jnp.int32),
            pltpu.VMEM((C_HALF,), jnp.float32),
            pltpu.VMEM((C_HALF,), jnp.float32),
            pltpu.VMEM((128, 8), jnp.float32),
            pltpu.VMEM((R_STRIPE,), jnp.int32),
            pltpu.VMEM((R_STRIPE,), jnp.float32),
            pltpu.VMEM((R_STRIPE,), jnp.int32),
            pltpu.VMEM((R_STRIPE,), jnp.float32),
            pltpu.VMEM((R_STRIPE,), jnp.float32),
            pltpu.VMEM_SHARED((N_RACC, 8), jnp.float32),
        ],
        compiler_params=pltpu.CompilerParams(use_tc_tiling_on_sc=False, needs_layout_passes=False),
    )
    return k(tsrc, md2, cidx, d2m, vld, zeros_stripe, neg1)


def _final_tc_body(lid_ref, lv1, dt1, vl1, sd1, ct1, ph1,
                   lv2, dt2, vl2, sd2, ct2, ph2, out_ref):
    lid = lid_ref[...]
    total = (lid[0, 0] + lid[0, 1] + lid[0, 2]) / N_LIDAR

    def branch(lv_r, dt_r, vl_r, sd_r, ct_r, ph_r):
        lv = jnp.clip(lv_r[...], R_MIN, R_MAX)
        ndt = jnp.maximum(dt_r[...], 0.01)
        vld = vl_r[...]
        sum_d = sd_r[...]
        cnt = ct_r[...]
        phys = ph_r[...]
        spat = jnp.where(cnt > 0,
                         sum_d / jnp.maximum(cnt, 1.0) ** 2, GHOST)
        denom = 2.0 * jnp.exp(lv) * ndt ** 2 + 1e-09
        return jnp.sum(vld * (phys / denom + spat / denom + 0.5 * lv))

    total = total + branch(lv1, dt1, vl1, sd1, ct1, ph1) / N_RADAR
    total = total + branch(lv2, dt2, vl2, sd2, ct2, ph2) / N_RADAR
    out_ref[...] = total.reshape(1, 1)


def _final_tc(lid, args1, args2):
    return pl.pallas_call(
        _final_tc_body,
        out_shape=jax.ShapeDtypeStruct((1, 1), jnp.float32),
    )(lid, *args1, *args2)


def kernel(lidar_out, lidar_pos, lidar_x, lidar_spatial_edge_index,
           radar1_out, radar1_pos, radar1_x, radar1_batch,
           radar1_temporal_edge_index, radar1_to_lidar_src,
           radar1_to_lidar_dst, radar2_out, radar2_pos, radar2_x,
           radar2_batch, radar2_temporal_edge_index, radar2_to_lidar_src,
           radar2_to_lidar_dst, dt_sec, gt_radar_pos):
    table = jnp.zeros((N_ACC, 8), jnp.float32)
    table = table.at[:N_LIDAR, 0:3].set(lidar_pos)
    table = table.at[:N_LIDAR, 3].set(lidar_x[:, 2])
    table = table.at[:N_LIDAR, 4].set(1.0)
    table = table.at[:N_LIDAR, 5].set(lidar_out[:, 0])

    src = lidar_spatial_edge_index[0].astype(jnp.int32)
    dst = lidar_spatial_edge_index[1].astype(jnp.int32)
    pad = E_PAD - E_LIDAR
    src_p = jnp.concatenate(
        [src, jnp.full((pad,), N_LIDAR, jnp.int32)]).reshape(
            2, NS, NCHUNK, NBATCH, LANE)
    dst_p = jnp.concatenate(
        [dst, jnp.full((pad,), N_ACC - 1, jnp.int32)]).reshape(
            2, NS, NCHUNK, NBATCH, LANE)
    zeros_stripe = jnp.zeros((ROWS_PER_TILE, 8), jnp.float32)

    acc = _lidar_sc(table, src_p, dst_p, zeros_stripe)

    acc0T = jnp.transpose(acc[0], (1, 0))
    acc1T = jnp.transpose(acc[1], (1, 0))
    tableT = jnp.transpose(table, (1, 0))
    lid = _lidar_tc(acc0T, acc1T, tableT)[0:1, :]

    def prep_branch(out_r, pos_r, x_r, batch_r, tei, srcr, dstl):
        rows = jnp.zeros((N_RACC, 8), jnp.float32)
        rows = rows.at[:N_RADAR, 0:3].set(pos_r)
        rows = rows.at[:N_RADAR, 3].set(x_r[:, 2])
        rows = rows.at[:N_RADAR, 4].set(jnp.take(dt_sec, batch_r))
        rows = rows.at[:N_RADAR, 5].set(out_r[:, 0])
        rows = rows.at[:N_RADAR, 6].set(1.0)
        tpad = jnp.full((E_TP - E_T,), N_RADAR, jnp.int32)
        cpad = jnp.full((E_CP - E_C,), N_RADAR, jnp.int32)
        ts = jnp.concatenate([tei[0].astype(jnp.int32), tpad])
        td = jnp.concatenate([tei[1].astype(jnp.int32), tpad])
        cs = jnp.concatenate([srcr.astype(jnp.int32), cpad])
        cd = jnp.concatenate([dstl.astype(jnp.int32),
                              jnp.full((E_CP - E_C,), N_LIDAR, jnp.int32)])
        return rows, ts, td, cs, cd

    b1 = prep_branch(radar1_out, radar1_pos, radar1_x, radar1_batch,
                     radar1_temporal_edge_index, radar1_to_lidar_src,
                     radar1_to_lidar_dst)
    b2 = prep_branch(radar2_out, radar2_pos, radar2_x, radar2_batch,
                     radar2_temporal_edge_index, radar2_to_lidar_src,
                     radar2_to_lidar_dst)
    rtab = jnp.concatenate([b1[0], b2[0]], axis=0)
    tsrc_l = jnp.stack([b1[1], b2[1]]).reshape(2, NS, T_TILE)
    tsrc_g = jnp.stack([b1[1], b2[1] + N_RACC]).reshape(2, NS, T_TILE)
    tdst_g = jnp.stack([b1[2], b2[2] + N_RACC]).reshape(2, NS, T_TILE)
    csrc_l = jnp.stack([b1[3], b2[3]]).reshape(2, NS, 2, 50, 128)
    csrc_g = jnp.stack([b1[3], b2[3] + N_RACC]).reshape(2, NS, 2, C_HALF)
    cdst_g = jnp.stack([b1[4], b2[4]]).reshape(2, NS, 2, C_HALF)

    S, D, Cr, Cl = _radar_gather(rtab, table, tsrc_g, tdst_g, csrc_g, cdst_g)

    gt8 = jnp.zeros((8, 256), jnp.float32).at[0:3, :].set(gt_radar_pos.T)
    md2_1 = _radar_temp_tc(S[0].T, D[0].T, gt8)
    md2_2 = _radar_temp_tc(S[1].T, D[1].T, gt8)
    d2m_1, vld_1 = _radar_cross_tc(Cr[0].T, Cl[0].T)
    d2m_2, vld_2 = _radar_cross_tc(Cr[1].T, Cl[1].T)

    md2 = jnp.stack([md2_1.reshape(NS, T_TILE), md2_2.reshape(NS, T_TILE)])
    d2m = jnp.stack([d2m_1.reshape(NS, 2, C_HALF),
                     d2m_2.reshape(NS, 2, C_HALF)])
    vld = jnp.stack([vld_1.reshape(NS, 2, C_HALF),
                     vld_2.reshape(NS, 2, C_HALF)])
    zeros_r = jnp.zeros((R_STRIPE, 8), jnp.float32)
    neg1 = jnp.full((N_RACC,), -1, jnp.int32)
    phys, racc, _eid, _val = _radar_scatter(tsrc_l, md2, csrc_l, d2m, vld,
                                            zeros_r, neg1)

    def final_args(b, rows):
        return (rows[:, 5].reshape(1, N_RACC), rows[:, 4].reshape(1, N_RACC),
                rows[:, 6].reshape(1, N_RACC),
                racc[b, :, 0].reshape(1, N_RACC),
                racc[b, :, 1].reshape(1, N_RACC),
                phys[b].reshape(1, N_RACC))

    out = _final_tc(lid, final_args(0, b1[0]), final_args(1, b2[0]))
    return out[0, 0]

# --- scband reference (transcript-rebuilt; emitter-appended) ---
"""Pipeline reference for scband-spatiotemporal-uncertainty-loss-16140487098675 (READ-ONLY COPY).

The authoritative reference and input builder live on the scoring server;
editing this copy changes nothing except your own understanding.
"""

import jax, jax.numpy as jnp
import numpy as np
import math

SCALE_POSE = 10.0
SCALE_RADAR_V = 5.0
L_MIN = 2 * math.log(0.03 / SCALE_POSE + 1e-09)
L_MAX = 2 * math.log(0.5 / SCALE_POSE + 1e-09)
R_MIN = 2 * math.log(0.1 / SCALE_RADAR_V + 1e-09)
R_MAX = 2 * math.log(5.0 / SCALE_RADAR_V + 1e-09)
RADIUS_CROSS = 0.6 / SCALE_POSE
GHOST = RADIUS_CROSS ** 2

N_LIDAR = 100000
E_LIDAR = 1600000
N_RADAR = 20000
E_TEMP = 100000
E_CROSS = 200000
B = 8
N_GT = 256


def setup_inputs(seed: int = 0):
    key = jax.random.key(seed)
    ks = jax.random.split(key, 24)
    inp = {}
    inp['lidar_out'] = jax.random.normal(ks[0], (N_LIDAR, 1), dtype=jnp.float32)
    inp['lidar_pos'] = jax.random.normal(ks[1], (N_LIDAR, 3), dtype=jnp.float32)
    inp['lidar_x'] = jax.random.uniform(ks[2], (N_LIDAR, 3), dtype=jnp.float32)
    inp['lidar_spatial_edge_index'] = jax.random.randint(ks[3], (2, E_LIDAR), 0, N_LIDAR)
    inp['radar1_out'] = jax.random.normal(ks[4], (N_RADAR, 1), dtype=jnp.float32)
    inp['radar1_pos'] = jax.random.normal(ks[5], (N_RADAR, 3), dtype=jnp.float32)
    inp['radar1_x'] = jax.random.normal(ks[6], (N_RADAR, 3), dtype=jnp.float32)
    inp['radar1_batch'] = jnp.sort(jax.random.randint(ks[7], (N_RADAR,), 0, B))
    inp['radar1_temporal_edge_index'] = jax.random.randint(ks[8], (2, E_TEMP), 0, N_RADAR)
    inp['radar1_to_lidar_src'] = jax.random.randint(ks[9], (E_CROSS,), 0, N_RADAR)
    inp['radar1_to_lidar_dst'] = jax.random.randint(ks[10], (E_CROSS,), 0, N_LIDAR)
    inp['radar2_out'] = jax.random.normal(ks[11], (N_RADAR, 1), dtype=jnp.float32)
    inp['radar2_pos'] = jax.random.normal(ks[12], (N_RADAR, 3), dtype=jnp.float32)
    inp['radar2_x'] = jax.random.normal(ks[13], (N_RADAR, 3), dtype=jnp.float32)
    inp['radar2_batch'] = jnp.sort(jax.random.randint(ks[14], (N_RADAR,), 0, B))
    inp['radar2_temporal_edge_index'] = jax.random.randint(ks[15], (2, E_TEMP), 0, N_RADAR)
    inp['radar2_to_lidar_src'] = jax.random.randint(ks[16], (E_CROSS,), 0, N_RADAR)
    inp['radar2_to_lidar_dst'] = jax.random.randint(ks[17], (E_CROSS,), 0, N_LIDAR)
    inp['dt_sec'] = jax.random.uniform(ks[18], (B,), dtype=jnp.float32)
    inp['gt_radar_pos'] = jax.random.normal(ks[19], (N_GT, 3), dtype=jnp.float32)
    return inp


def _scatter_mean(vals, idx, num):
    s = jax.ops.segment_sum(vals, idx, num_segments=num)
    c = jax.ops.segment_sum(jnp.ones((vals.shape[0],) + (1,) * (vals.ndim - 1), vals.dtype), idx, num_segments=num)
    return s / jnp.maximum(c, 1.0)


def _radar_branch(out, pos, x, batch_idx, temp_ei, src_r, dst_l, lidar_pos, dt_sec, gt_pos):
    lv = jnp.clip(out, R_MIN, R_MAX)
    node_dt = jnp.maximum(dt_sec[batch_idx][:, None], 0.01)
    N = pos.shape[0]
    src, dst = temp_ei[0], temp_ei[1]
    move = pos[dst] - pos[src]
    unit = move / (jnp.linalg.norm(move, axis=1, keepdims=True) + 1e-09)
    speed = jnp.abs(x[src, 2:3])
    pred = pos[src] + speed * unit * node_dt[src]
    a2 = jnp.sum(pred ** 2, axis=1, keepdims=True)
    b2 = jnp.sum(gt_pos ** 2, axis=1)[None, :]
    d2 = jnp.maximum(a2 + b2 - 2.0 * pred @ gt_pos.T, 0.0)
    min_d2 = jnp.min(d2, axis=1, keepdims=True)
    physics_err_sq = jnp.zeros_like(lv).at[src].set(min_d2)
    dist_sq = jnp.sum((pos[src_r] - lidar_pos[dst_l]) ** 2, axis=1)
    sum_d = jax.ops.segment_sum(dist_sq, src_r, num_segments=N)
    cnt_d = jax.ops.segment_sum(jnp.ones_like(dist_sq), src_r, num_segments=N)
    val = (sum_d / jnp.maximum(cnt_d, 1.0) ** 2)[:, None]
    spatial_err_sq = jnp.where(cnt_d[:, None] > 0, val, GHOST)
    denom = 2.0 * jnp.exp(lv) * node_dt ** 2 + 1e-09
    r_temp = jnp.mean(physics_err_sq / denom)
    r_spat = jnp.mean(spatial_err_sq / denom)
    r_reg = jnp.mean(0.5 * lv)
    return r_temp + r_spat + r_reg


def reference(lidar_out, lidar_pos, lidar_x, lidar_spatial_edge_index,
              radar1_out, radar1_pos, radar1_x, radar1_batch, radar1_temporal_edge_index,
              radar1_to_lidar_src, radar1_to_lidar_dst,
              radar2_out, radar2_pos, radar2_x, radar2_batch, radar2_temporal_edge_index,
              radar2_to_lidar_src, radar2_to_lidar_dst,
              dt_sec, gt_radar_pos):
    total = 0.0
    # lidar branch
    lv = jnp.clip(lidar_out, L_MIN, L_MAX)
    curr_int = lidar_x[:, 2:3]
    src, dst = lidar_spatial_edge_index[0], lidar_spatial_edge_index[1]
    N = lidar_pos.shape[0]
    mean_pos = _scatter_mean(lidar_pos[src], dst, N)
    mean_int = _scatter_mean(curr_int[src], dst, N)
    res_pos = jnp.sum((lidar_pos - mean_pos) ** 2, axis=1, keepdims=True)
    res_int = (curr_int - mean_int) ** 2
    precision = jnp.exp(-lv)
    l_spat = jnp.mean(0.5 * precision * res_pos)
    l_int = jnp.mean(0.5 * precision * res_int)
    l_reg = jnp.mean(0.5 * lv)
    total = total + (l_spat + l_int + l_reg)
    total = total + _radar_branch(radar1_out, radar1_pos, radar1_x, radar1_batch,
                                  radar1_temporal_edge_index, radar1_to_lidar_src,
                                  radar1_to_lidar_dst, lidar_pos, dt_sec, gt_radar_pos)
    total = total + _radar_branch(radar2_out, radar2_pos, radar2_x, radar2_batch,
                                  radar2_temporal_edge_index, radar2_to_lidar_src,
                                  radar2_to_lidar_dst, lidar_pos, dt_sec, gt_radar_pos)
    return total

if __name__ == "__main__":
    import jax
    _d = setup_inputs()
    print(jax.jit(kernel)(*tuple(_d.values())))

</pallas_src>

<mosaic_0001>
#map = affine_map<(d0, d1) -> (0, 0)>
#map1 = affine_map<(d0, d1) -> (0, 0, 0, 0, 0)>
#map2 = affine_map<(d0, d1) -> (0, 0, 0)>
module attributes {stable_mosaic.version = 14 : i64} {
  func.func @_lidar_sc_body(%arg0: i32, %arg1: i32, %arg2: memref<102400x8xf32, #tpu.memory_space<hbm>>, %arg3: memref<2x16x25x16x128xi32, #tpu.memory_space<hbm>>, %arg4: memref<2x16x25x16x128xi32, #tpu.memory_space<hbm>>, %arg5: memref<6400x8xf32, #tpu.memory_space<hbm>>, %arg6: memref<2x102400x8xf32, #tpu.memory_space<hbm>>, %arg7: memref<16x128xi32, #tpu.memory_space<vmem>>, %arg8: memref<16x128xi32, #tpu.memory_space<vmem>>, %arg9: memref<2x128x8xf32, #tpu.memory_space<vmem>>, %arg10: memref<102400x8xf32, #tpu.memory_space<vmem_shared>>, %arg11: memref<2x!tpu.dma_semaphore, #tpu.memory_space<semaphore_mem>>) attributes {dimension_semantics = [#tpu.dimension_semantics<core_parallel>, #tpu.dimension_semantics<subcore_parallel>], iteration_bounds = array<i64: 2, 16>, scalar_prefetch = 0 : i64, scratch_operands = 5 : i64, tpu.core_type = #tpu.core_type<sc_vector_subcore>, window_params = [{transform_indices = #map}, {transform_indices = #map1}, {transform_indices = #map1}, {transform_indices = #map}, {transform_indices = #map2}]} {
    %mul3A = arith.constant 6400 : i32
    %mul3A_0 = arith.muli %arg1, %mul3A : i32
    "tpu.region"() ({
      %run_scoped3A = tpu.sem_alloc : memref<!tpu.dma_semaphore, #tpu.memory_space<semaphore_mem>>
      %dma_start3A = arith.constant 0 : i32
      %dma_start3A_10 = tpu.memref_slice %arg10[%mul3A_0, %dma_start3A] : memref<102400x8xf32, #tpu.memory_space<vmem_shared>> -> memref<6400x8xf32, #tpu.memory_space<vmem_shared>>
      tpu.enqueue_dma source(%arg5 : memref<6400x8xf32, #tpu.memory_space<hbm>>) target(%dma_start3A_10 : memref<6400x8xf32, #tpu.memory_space<vmem_shared>>) target_semaphore(%run_scoped3A : memref<!tpu.dma_semaphore, #tpu.memory_space<semaphore_mem>>)
      %dma_wait3A = arith.constant 0 : i32
      %dma_wait3A_11 = tpu.memref_slice %arg10[%mul3A_0, %dma_wait3A] : memref<102400x8xf32, #tpu.memory_space<vmem_shared>> -> memref<6400x8xf32, #tpu.memory_space<vmem_shared>>
      tpu.wait_dma2 semaphore(%run_scoped3A : memref<!tpu.dma_semaphore, #tpu.memory_space<semaphore_mem>>) src(%arg5 : memref<6400x8xf32, #tpu.memory_space<hbm>>) dst(%dma_wait3A_11 : memref<6400x8xf32, #tpu.memory_space<vmem_shared>>)
      tpu.yield
    }) : () -> ()
    %barrier3A = arith.constant 0 : index
    tpu.barrier barrier_id(%barrier3A)
    %scan3A = arith.constant 0 : i32
    %scan3A_1 = arith.constant 25 : i32
    %scan3A_2 = arith.addi %scan3A, %scan3A_1 : i32
    %scan3A_3 = arith.constant 1 : i32
    scf.for %scan3A_10 = %scan3A to %scan3A_2 step %scan3A_3  : i32 {
      "tpu.region"() ({
        %run_scoped3A_520 = tpu.sem_alloc : memref<!tpu.dma_semaphore, #tpu.memory_space<semaphore_mem>>
        %dma_start3A_521 = arith.constant 0 : i32
        %dma_start3A_522 = arith.constant 0 : i32
        %dma_start3A_523 = tpu.memref_slice %arg3[%arg0, %arg1, %scan3A_10, %dma_start3A_521, %dma_start3A_522] : memref<2x16x25x16x128xi32, #tpu.memory_space<hbm>> -> memref<1x1x1x16x128xi32, #tpu.memory_space<hbm>>
        %dma_start3A_524 = tpu.memref_squeeze %dma_start3A_523 : memref<1x1x1x16x128xi32, #tpu.memory_space<hbm>> -> memref<16x128xi32, #tpu.memory_space<hbm>>
        %dma_start3A_525 = arith.constant 0 : i32
        %dma_start3A_526 = arith.constant 0 : i32
        %dma_start3A_527 = tpu.memref_slice %arg3[%arg0, %arg1, %scan3A_10, %dma_start3A_525, %dma_start3A_526] : memref<2x16x25x16x128xi32, #tpu.memory_space<hbm>> -> memref<1x1x1x16x128xi32, #tpu.memory_space<hbm>>
        %dma_start3A_528 = tpu.memref_squeeze %dma_start3A_527 : memref<1x1x1x16x128xi32, #tpu.memory_space<hbm>> -> memref<16x128xi32, #tpu.memory_space<hbm>>
        tpu.enqueue_dma source(%dma_start3A_528 : memref<16x128xi32, #tpu.memory_space<hbm>>) target(%arg7 : memref<16x128xi32, #tpu.memory_space<vmem>>) target_semaphore(%run_scoped3A_520 : memref<!tpu.dma_semaphore, #tpu.memory_space<semaphore_mem>>)
        %dma_wait3A_529 = arith.constant 0 : i32
        %dma_wait3A_530 = arith.constant 0 : i32
        %dma_wait3A_531 = tpu.memref_slice %arg3[%arg0, %arg1, %scan3A_10, %dma_wait3A_529, %dma_wait3A_530] : memref<2x16x25x16x128xi32, #tpu.memory_space<hbm>> -> memref<1x1x1x16x128xi32, #tpu.memory_space<hbm>>
        %dma_wait3A_532 = tpu.memref_squeeze %dma_wait3A_531 : memref<1x1x1x16x128xi32, #tpu.memory_space<hbm>> -> memref<16x128xi32, #tpu.memory_space<hbm>>
        %dma_wait3A_533 = arith.constant 0 : i32
        %dma_wait3A_534 = arith.constant 0 : i32
        %dma_wait3A_535 = tpu.memref_slice %arg3[%arg0, %arg1, %scan3A_10, %dma_wait3A_533, %dma_wait3A_534] : memref<2x16x25x16x128xi32, #tpu.memory_space<hbm>> -> memref<1x1x1x16x128xi32, #tpu.memory_space<hbm>>
        %dma_wait3A_536 = tpu.memref_squeeze %dma_wait3A_535 : memref<1x1x1x16x128xi32, #tpu.memory_space<hbm>> -> memref<16x128xi32, #tpu.memory_space<hbm>>
        tpu.wait_dma2 semaphore(%run_scoped3A_520 : memref<!tpu.dma_semaphore, #tpu.memory_space<semaphore_mem>>) src(%dma_wait3A_536 : memref<16x128xi32, #tpu.memory_space<hbm>>) dst(%arg7 : memref<16x128xi32, #tpu.memory_space<vmem>>)
        tpu.yield
      }) : () -> ()
      "tpu.region"() ({
        %run_scoped3A_520 = tpu.sem_alloc : memref<!tpu.dma_semaphore, #tpu.memory_space<semaphore_mem>>
        %dma_start3A_521 = arith.constant 0 : i32
        %dma_start3A_522 = arith.constant 0 : i32
        %dma_start3A_523 = tpu.memref_slice %arg4[%arg0, %arg1, %scan3A_10, %dma_start3A_521, %dma_start3A_522] : memref<2x16x25x16x128xi32, #tpu.memory_space<hbm>> -> memref<1x1x1x16x128xi32, #tpu.memory_space<hbm>>
        %dma_start3A_524 = tpu.memref_squeeze %dma_start3A_523 : memref<1x1x1x16x128xi32, #tpu.memory_space<hbm>> -> memref<16x128xi32, #tpu.memory_space<hbm>>
        %dma_start3A_525 = arith.constant 0 : i32
        %dma_start3A_526 = arith.constant 0 : i32
        %dma_start3A_527 = tpu.memref_slice %arg4[%arg0, %arg1, %scan3A_10, %dma_start3A_525, %dma_start3A_526] : memref<2x16x25x16x128xi32, #tpu.memory_space<hbm>> -> memref<1x1x1x16x128xi32, #tpu.memory_space<hbm>>
        %dma_start3A_528 = tpu.memref_squeeze %dma_start3A_527 : memref<1x1x1x16x128xi32, #tpu.memory_space<hbm>> -> memref<16x128xi32, #tpu.memory_space<hbm>>
        tpu.enqueue_dma source(%dma_start3A_528 : memref<16x128xi32, #tpu.memory_space<hbm>>) target(%arg8 : memref<16x128xi32, #tpu.memory_space<vmem>>) target_semaphore(%run_scoped3A_520 : memref<!tpu.dma_semaphore, #tpu.memory_space<semaphore_mem>>)
        %dma_wait3A_529 = arith.constant 0 : i32
        %dma_wait3A_530 = arith.constant 0 : i32
        %dma_wait3A_531 = tpu.memref_slice %arg4[%arg0, %arg1, %scan3A_10, %dma_wait3A_529, %dma_wait3A_530] : memref<2x16x25x16x128xi32, #tpu.memory_space<hbm>> -> memref<1x1x1x16x128xi32, #tpu.memory_space<hbm>>
        %dma_wait3A_532 = tpu.memref_squeeze %dma_wait3A_531 : memref<1x1x1x16x128xi32, #tpu.memory_space<hbm>> -> memref<16x128xi32, #tpu.memory_space<hbm>>
        %dma_wait3A_533 = arith.constant 0 : i32
        %dma_wait3A_534 = arith.constant 0 : i32
        %dma_wait3A_535 = tpu.memref_slice %arg4[%arg0, %arg1, %scan3A_10, %dma_wait3A_533, %dma_wait3A_534] : memref<2x16x25x16x128xi32, #tpu.memory_space<hbm>> -> memref<1x1x1x16x128xi32, #tpu.memory_space<hbm>>
        %dma_wait3A_536 = tpu.memref_squeeze %dma_wait3A_535 : memref<1x1x1x16x128xi32, #tpu.memory_space<hbm>> -> memref<16x128xi32, #tpu.memory_space<hbm>>
        tpu.wait_dma2 semaphore(%run_scoped3A_520 : memref<!tpu.dma_semaphore, #tpu.memory_space<semaphore_mem>>) src(%dma_wait3A_536 : memref<16x128xi32, #tpu.memory_space<hbm>>) dst(%arg8 : memref<16x128xi32, #tpu.memory_space<vmem>>)
        tpu.yield
      }) : () -> ()
      %dma_start3A = arith.constant 0 : i32
      %dma_start3A_11 = arith.constant 0 : i32
      %dma_start3A_12 = arith.constant 0 : i32
      %dma_start3A_13 = arith.constant 0 : i32
      %dma_start3A_14 = arith.constant 0 : i32
      %dma_start3A_15 = tpu.memref_slice %arg9[%dma_start3A_11, %dma_start3A_13, %dma_start3A_14] : memref<2x128x8xf32, #tpu.memory_space<vmem>> -> memref<1x128x8xf32, #tpu.memory_space<vmem>>
      %dma_start3A_16 = tpu.memref_squeeze %dma_start3A_15 : memref<1x128x8xf32, #tpu.memory_space<vmem>> -> memref<128x8xf32, #tpu.memory_space<vmem>>
      %dma_start3A_17 = arith.constant 0 : i32
      %dma_start3A_18 = tpu.memref_slice %arg7[%dma_start3A, %dma_start3A_17] : memref<16x128xi32, #tpu.memory_space<vmem>> -> memref<1x128xi32, #tpu.memory_space<vmem>>
      %dma_start3A_19 = tpu.memref_squeeze %dma_start3A_18 : memref<1x128xi32, #tpu.memory_space<vmem>> -> memref<128xi32, #tpu.memory_space<vmem>>
      %dma_start3A_20 = arith.constant 0 : i32
      %dma_start3A_21 = arith.constant 0 : i32
      %dma_start3A_22 = tpu.memref_slice %arg2[%dma_start3A_20, %dma_start3A_21] : memref<102400x8xf32, #tpu.memory_space<hbm>> -> memref<102400x8xf32, #tpu.memory_space<hbm>>
      %dma_start3A_23 = tpu.memref_slice %arg11[%dma_start3A_12] : memref<2x!tpu.dma_semaphore, #tpu.memory_space<semaphore_mem>> -> memref<1x!tpu.dma_semaphore, #tpu.memory_space<semaphore_mem>>
      %dma_start3A_24 = tpu.memref_squeeze %dma_start3A_23 : memref<1x!tpu.dma_semaphore, #tpu.memory_space<semaphore_mem>> -> memref<!tpu.dma_semaphore, #tpu.memory_space<semaphore_mem>>
      tpu.enqueue_indirect_dma source(%dma_start3A_22 : memref<102400x8xf32, #tpu.memory_space<hbm>>) target(%dma_start3A_16 : memref<128x8xf32, #tpu.memory_space<vmem>>) offsets(%dma_start3A_19 : memref<128xi32, #tpu.memory_space<vmem>>) semaphore(%dma_start3A_24 : memref<!tpu.dma_semaphore, #tpu.memory_space<semaphore_mem>>)
      %dma_wait3A = arith.constant 0 : i32
      %dma_wait3A_25 = arith.constant 0 : i32
      %dma_wait3A_26 = arith.constant 0 : i32
      %dma_wait3A_27 = arith.constant 0 : i32
      %dma_wait3A_28 = arith.constant 0 : i32
      %dma_wait3A_29 = tpu.memref_slice %arg9[%dma_wait3A_25, %dma_wait3A_27, %dma_wait3A_28] : memref<2x128x8xf32, #tpu.memory_space<vmem>> -> memref<1x128x8xf32, #tpu.memory_space<vmem>>
      %dma_wait3A_30 = tpu.memref_squeeze %dma_wait3A_29 : memref<1x128x8xf32, #tpu.memory_space<vmem>> -> memref<128x8xf32, #tpu.memory_space<vmem>>
      %dma_wait3A_31 = arith.constant 0 : i32
      %dma_wait3A_32 = tpu.memref_slice %arg7[%dma_wait3A, %dma_wait3A_31] : memref<16x128xi32, #tpu.memory_space<vmem>> -> memref<1x128xi32, #tpu.memory_space<vmem>>
      %dma_wait3A_33 = tpu.memref_squeeze %dma_wait3A_32 : memref<1x128xi32, #tpu.memory_space<vmem>> -> memref<128xi32, #tpu.memory_space<vmem>>
      %dma_wait3A_34 = arith.constant 0 : i32
      %dma_wait3A_35 = arith.constant 0 : i32
      %dma_wait3A_36 = tpu.memref_slice %arg2[%dma_wait3A_34, %dma_wait3A_35] : memref<102400x8xf32, #tpu.memory_space<hbm>> -> memref<102400x8xf32, #tpu.memory_space<hbm>>
      %dma_wait3A_37 = tpu.memref_slice %arg11[%dma_wait3A_26] : memref<2x!tpu.dma_semaphore, #tpu.memory_space<semaphore_mem>> -> memref<1x!tpu.dma_semaphore, #tpu.memory_space<semaphore_mem>>
      %dma_wait3A_38 = tpu.memref_squeeze %dma_wait3A_37 : memref<1x!tpu.dma_semaphore, #tpu.memory_space<semaphore_mem>> -> memref<!tpu.dma_semaphore, #tpu.memory_space<semaphore_mem>>
      tpu.wait_indirect_dma semaphore(%dma_wait3A_38 : memref<!tpu.dma_semaphore, #tpu.memory_space<semaphore_mem>>) src(%dma_wait3A_36 : memref<102400x8xf32, #tpu.memory_space<hbm>>) dst(%dma_wait3A_30 : memref<128x8xf32, #tpu.memory_space<vmem>>)
      %dma_start3A_39 = arith.constant 1 : i32
      %dma_start3A_40 = arith.constant 1 : i32
      %dma_start3A_41 = arith.constant 1 : i32
      %dma_start3A_42 = arith.constant 0 : i32
      %dma_start3A_43 = arith.constant 0 : i32
      %dma_start3A_44 = tpu.memref_slice %arg9[%dma_start3A_40, %dma_start3A_42, %dma_start3A_43] : memref<2x128x8xf32, #tpu.memory_space<vmem>> -> memref<1x128x8xf32, #tpu.memory_space<vmem>>
      %dma_start3A_45 = tpu.memref_squeeze %dma_start3A_44 : memref<1x128x8xf32, #tpu.memory_space<vmem>> -> memref<128x8xf32, #tpu.memory_space<vmem>>
      %dma_start3A_46 = arith.constant 0 : i32
      %dma_start3A_47 = tpu.memref_slice %arg7[%dma_start3A_39, %dma_start3A_46] : memref<16x128xi32, #tpu.memory_space<vmem>> -> memref<1x128xi32, #tpu.memory_space<vmem>>
      %dma_start3A_48 = tpu.memref_squeeze %dma_start3A_47 : memref<1x128xi32, #tpu.memory_space<vmem>> -> memref<128xi32, #tpu.memory_space<vmem>>
      %dma_start3A_49 = arith.constant 0 : i32
      %dma_start3A_50 = arith.constant 0 : i32
      %dma_start3A_51 = tpu.memref_slice %arg2[%dma_start3A_49, %dma_start3A_50] : memref<102400x8xf32, #tpu.memory_space<hbm>> -> memref<102400x8xf32, #tpu.memory_space<hbm>>
      %dma_start3A_52 = tpu.memref_slice %arg11[%dma_start3A_41] : memref<2x!tpu.dma_semaphore, #tpu.memory_space<semaphore_mem>> -> memref<1x!tpu.dma_semaphore, #tpu.memory_space<semaphore_mem>>
      %dma_start3A_53 = tpu.memref_squeeze %dma_start3A_52 : memref<1x!tpu.dma_semaphore, #tpu.memory_space<semaphore_mem>> -> memref<!tpu.dma_semaphore, #tpu.memory_space<semaphore_mem>>
      tpu.enqueue_indirect_dma source(%dma_start3A_51 : memref<102400x8xf32, #tpu.memory_space<hbm>>) target(%dma_start3A_45 : memref<128x8xf32, #tpu.memory_space<vmem>>) offsets(%dma_start3A_48 : memref<128xi32, #tpu.memory_space<vmem>>) semaphore(%dma_start3A_53 : memref<!tpu.dma_semaphore, #tpu.memory_space<semaphore_mem>>)
      %run_scoped3A = arith.constant 0 : i32
      %run_scoped3A_54 = arith.constant 0 : i32
      "tpu.region"() ({
        %run_scoped3A_520 = tpu.sem_alloc : memref<!tpu.dma_semaphore, #tpu.memory_space<semaphore_mem>>
        %dma_start3A_521 = arith.constant 0 : i32
        %dma_start3A_522 = arith.constant 0 : i32
        %dma_start3A_523 = tpu.memref_slice %arg9[%run_scoped3A, %dma_start3A_521, %dma_start3A_522] : memref<2x128x8xf32, #tpu.memory_space<vmem>> -> memref<1x128x8xf32, #tpu.memory_space<vmem>>
        %dma_start3A_524 = tpu.memref_squeeze %dma_start3A_523 : memref<1x128x8xf32, #tpu.memory_space<vmem>> -> memref<128x8xf32, #tpu.memory_space<vmem>>
        %dma_start3A_525 = arith.constant 0 : i32
        %dma_start3A_526 = tpu.memref_slice %arg8[%run_scoped3A_54, %dma_start3A_525] : memref<16x128xi32, #tpu.memory_space<vmem>> -> memref<1x128xi32, #tpu.memory_space<vmem>>
        %dma_start3A_527 = tpu.memref_squeeze %dma_start3A_526 : memref<1x128xi32, #tpu.memory_space<vmem>> -> memref<128xi32, #tpu.memory_space<vmem>>
        %dma_start3A_528 = arith.constant 0 : i32
        %dma_start3A_529 = arith.constant 0 : i32
        %dma_start3A_530 = tpu.memref_slice %arg10[%dma_start3A_528, %dma_start3A_529] : memref<102400x8xf32, #tpu.memory_space<vmem_shared>> -> memref<102400x8xf32, #tpu.memory_space<vmem_shared>>
        tpu.enqueue_indirect_dma source(%dma_start3A_524 : memref<128x8xf32, #tpu.memory_space<vmem>>) target(%dma_start3A_530 : memref<102400x8xf32, #tpu.memory_space<vmem_shared>>) offsets(%dma_start3A_527 : memref<128xi32, #tpu.memory_space<vmem>>) semaphore(%run_scoped3A_520 : memref<!tpu.dma_semaphore, #tpu.memory_space<semaphore_mem>>) {add = true}
        %dma_wait3A_531 = arith.constant 0 : i32
        %dma_wait3A_532 = arith.constant 0 : i32
        %dma_wait3A_533 = tpu.memref_slice %arg9[%run_scoped3A, %dma_wait3A_531, %dma_wait3A_532] : memref<2x128x8xf32, #tpu.memory_space<vmem>> -> memref<1x128x8xf32, #tpu.memory_space<vmem>>
        %dma_wait3A_534 = tpu.memref_squeeze %dma_wait3A_533 : memref<1x128x8xf32, #tpu.memory_space<vmem>> -> memref<128x8xf32, #tpu.memory_space<vmem>>
        %dma_wait3A_535 = arith.constant 0 : i32
        %dma_wait3A_536 = tpu.memref_slice %arg8[%run_scoped3A_54, %dma_wait3A_535] : memref<16x128xi32, #tpu.memory_space<vmem>> -> memref<1x128xi32, #tpu.memory_space<vmem>>
        %dma_wait3A_537 = tpu.memref_squeeze %dma_wait3A_536 : memref<1x128xi32, #tpu.memory_space<vmem>> -> memref<128xi32, #tpu.memory_space<vmem>>
        %dma_wait3A_538 = arith.constant 0 : i32
        %dma_wait3A_539 = arith.constant 0 : i32
        %dma_wait3A_540 = tpu.memref_slice %arg10[%dma_wait3A_538, %dma_wait3A_539] : memref<102400x8xf32, #tpu.memory_space<vmem_shared>> -> memref<102400x8xf32, #tpu.memory_space<vmem_shared>>
        tpu.wait_indirect_dma semaphore(%run_scoped3A_520 : memref<!tpu.dma_semaphore, #tpu.memory_space<semaphore_mem>>) src(%dma_wait3A_534 : memref<128x8xf32, #tpu.memory_space<vmem>>) dst(%dma_wait3A_540 : memref<102400x8xf32, #tpu.memory_space<vmem_shared>>)
        tpu.yield
      }) : () -> ()
      %dma_wait3A_55 = arith.constant 1 : i32
      %dma_wait3A_56 = arith.constant 1 : i32
      %dma_wait3A_57 = arith.constant 1 : i32
      %dma_wait3A_58 = arith.constant 0 : i32
      %dma_wait3A_59 = arith.constant 0 : i32
      %dma_wait3A_60 = tpu.memref_slice %arg9[%dma_wait3A_56, %dma_wait3A_58, %dma_wait3A_59] : memref<2x128x8xf32, #tpu.memory_space<vmem>> -> memref<1x128x8xf32, #tpu.memory_space<vmem>>
      %dma_wait3A_61 = tpu.memref_squeeze %dma_wait3A_60 : memref<1x128x8xf32, #tpu.memory_space<vmem>> -> memref<128x8xf32, #tpu.memory_space<vmem>>
      %dma_wait3A_62 = arith.constant 0 : i32
      %dma_wait3A_63 = tpu.memref_slice %arg7[%dma_wait3A_55, %dma_wait3A_62] : memref<16x128xi32, #tpu.memory_space<vmem>> -> memref<1x128xi32, #tpu.memory_space<vmem>>
      %dma_wait3A_64 = tpu.memref_squeeze %dma_wait3A_63 : memref<1x128xi32, #tpu.memory_space<vmem>> -> memref<128xi32, #tpu.memory_space<vmem>>
      %dma_wait3A_65 = arith.constant 0 : i32
      %dma_wait3A_66 = arith.constant 0 : i32
      %dma_wait3A_67 = tpu.memref_slice %arg2[%dma_wait3A_65, %dma_wait3A_66] : memref<102400x8xf32, #tpu.memory_space<hbm>> -> memref<102400x8xf32, #tpu.memory_space<hbm>>
      %dma_wait3A_68 = tpu.memref_slice %arg11[%dma_wait3A_57] : memref<2x!tpu.dma_semaphore, #tpu.memory_space<semaphore_mem>> -> memref<1x!tpu.dma_semaphore, #tpu.memory_space<semaphore_mem>>
      %dma_wait3A_69 = tpu.memref_squeeze %dma_wait3A_68 : memref<1x!tpu.dma_semaphore, #tpu.memory_space<semaphore_mem>> -> memref<!tpu.dma_semaphore, #tpu.memory_space<semaphore_mem>>
      tpu.wait_indirect_dma semaphore(%dma_wait3A_69 : memref<!tpu.dma_semaphore, #tpu.memory_space<semaphore_mem>>) src(%dma_wait3A_67 : memref<102400x8xf32, #tpu.memory_space<hbm>>) dst(%dma_wait3A_61 : memref<128x8xf32, #tpu.memory_space<vmem>>)
      %dma_start3A_70 = arith.constant 2 : i32
      %dma_start3A_71 = arith.constant 0 : i32
      %dma_start3A_72 = arith.constant 0 : i32
      %dma_start3A_73 = arith.constant 0 : i32
      %dma_start3A_74 = arith.constant 0 : i32
      %dma_start3A_75 = tpu.memref_slice %arg9[%dma_start3A_71, %dma_start3A_73, %dma_start3A_74] : memref<2x128x8xf32, #tpu.memory_space<vmem>> -> memref<1x128x8xf32, #tpu.memory_space<vmem>>
      %dma_start3A_76 = tpu.memref_squeeze %dma_start3A_75 : memref<1x128x8xf32, #tpu.memory_space<vmem>> -> memref<128x8xf32, #tpu.memory_space<vmem>>
      %dma_start3A_77 = arith.constant 0 : i32
      %dma_start3A_78 = tpu.memref_slice %arg7[%dma_start3A_70, %dma_start3A_77] : memref<16x128xi32, #tpu.memory_space<vmem>> -> memref<1x128xi32, #tpu.memory_space<vmem>>
      %dma_start3A_79 = tpu.memref_squeeze %dma_start3A_78 : memref<1x128xi32, #tpu.memory_space<vmem>> -> memref<128xi32, #tpu.memory_space<vmem>>
      %dma_start3A_80 = arith.constant 0 : i32
      %dma_start3A_81 = arith.constant 0 : i32
      %dma_start3A_82 = tpu.memref_slice %arg2[%dma_start3A_80, %dma_start3A_81] : memref<102400x8xf32, #tpu.memory_space<hbm>> -> memref<102400x8xf32, #tpu.memory_space<hbm>>
      %dma_start3A_83 = tpu.memref_slice %arg11[%dma_start3A_72] : memref<2x!tpu.dma_semaphore, #tpu.memory_space<semaphore_mem>> -> memref<1x!tpu.dma_semaphore, #tpu.memory_space<semaphore_mem>>
      %dma_start3A_84 = tpu.memref_squeeze %dma_start3A_83 : memref<1x!tpu.dma_semaphore, #tpu.memory_space<semaphore_mem>> -> memref<!tpu.dma_semaphore, #tpu.memory_space<semaphore_mem>>
      tpu.enqueue_indirect_dma source(%dma_start3A_82 : memref<102400x8xf32, #tpu.memory_space<hbm>>) target(%dma_start3A_76 : memref<128x8xf32, #tpu.memory_space<vmem>>) offsets(%dma_start3A_79 : memref<128xi32, #tpu.memory_space<vmem>>) semaphore(%dma_start3A_84 : memref<!tpu.dma_semaphore, #tpu.memory_space<semaphore_mem>>)
      %run_scoped3A_85 = arith.constant 1 : i32
      %run_scoped3A_86 = arith.constant 1 : i32
      "tpu.region"() ({
        %run_scoped3A_520 = tpu.sem_alloc : memref<!tpu.dma_semaphore, #tpu.memory_space<semaphore_mem>>
        %dma_start3A_521 = arith.constant 0 : i32
        %dma_start3A_522 = arith.constant 0 : i32
        %dma_start3A_523 = tpu.memref_slice %arg9[%run_scoped3A_85, %dma_start3A_521, %dma_start3A_522] : memref<2x128x8xf32, #tpu.memory_space<vmem>> -> memref<1x128x8xf32, #tpu.memory_space<vmem>>
        %dma_start3A_524 = tpu.memref_squeeze %dma_start3A_523 : memref<1x128x8xf32, #tpu.memory_space<vmem>> -> memref<128x8xf32, #tpu.memory_space<vmem>>
        %dma_start3A_525 = arith.constant 0 : i32
        %dma_start3A_526 = tpu.memref_slice %arg8[%run_scoped3A_86, %dma_start3A_525] : memref<16x128xi32, #tpu.memory_space<vmem>> -> memref<1x128xi32, #tpu.memory_space<vmem>>
        %dma_start3A_527 = tpu.memref_squeeze %dma_start3A_526 : memref<1x128xi32, #tpu.memory_space<vmem>> -> memref<128xi32, #tpu.memory_space<vmem>>
        %dma_start3A_528 = arith.constant 0 : i32
        %dma_start3A_529 = arith.constant 0 : i32
        %dma_start3A_530 = tpu.memref_slice %arg10[%dma_start3A_528, %dma_start3A_529] : memref<102400x8xf32, #tpu.memory_space<vmem_shared>> -> memref<102400x8xf32, #tpu.memory_space<vmem_shared>>
        tpu.enqueue_indirect_dma source(%dma_start3A_524 : memref<128x8xf32, #tpu.memory_space<vmem>>) target(%dma_start3A_530 : memref<102400x8xf32, #tpu.memory_space<vmem_shared>>) offsets(%dma_start3A_527 : memref<128xi32, #tpu.memory_space<vmem>>) semaphore(%run_scoped3A_520 : memref<!tpu.dma_semaphore, #tpu.memory_space<semaphore_mem>>) {add = true}
        %dma_wait3A_531 = arith.constant 0 : i32
        %dma_wait3A_532 = arith.constant 0 : i32
        %dma_wait3A_533 = tpu.memref_slice %arg9[%run_scoped3A_85, %dma_wait3A_531, %dma_wait3A_532] : memref<2x128x8xf32, #tpu.memory_space<vmem>> -> memref<1x128x8xf32, #tpu.memory_space<vmem>>
        %dma_wait3A_534 = tpu.memref_squeeze %dma_wait3A_533 : memref<1x128x8xf32, #tpu.memory_space<vmem>> -> memref<128x8xf32, #tpu.memory_space<vmem>>
        %dma_wait3A_535 = arith.constant 0 : i32
        %dma_wait3A_536 = tpu.memref_slice %arg8[%run_scoped3A_86, %dma_wait3A_535] : memref<16x128xi32, #tpu.memory_space<vmem>> -> memref<1x128xi32, #tpu.memory_space<vmem>>
        %dma_wait3A_537 = tpu.memref_squeeze %dma_wait3A_536 : memref<1x128xi32, #tpu.memory_space<vmem>> -> memref<128xi32, #tpu.memory_space<vmem>>
        %dma_wait3A_538 = arith.constant 0 : i32
        %dma_wait3A_539 = arith.constant 0 : i32
        %dma_wait3A_540 = tpu.memref_slice %arg10[%dma_wait3A_538, %dma_wait3A_539] : memref<102400x8xf32, #tpu.memory_space<vmem_shared>> -> memref<102400x8xf32, #tpu.memory_space<vmem_shared>>
        tpu.wait_indirect_dma semaphore(%run_scoped3A_520 : memref<!tpu.dma_semaphore, #tpu.memory_space<semaphore_mem>>) src(%dma_wait3A_534 : memref<128x8xf32, #tpu.memory_space<vmem>>) dst(%dma_wait3A_540 : memref<102400x8xf32, #tpu.memory_space<vmem_shared>>)
        tpu.yield
      }) : () -> ()
      %dma_wait3A_87 = arith.constant 2 : i32
      %dma_wait3A_88 = arith.constant 0 : i32
      %dma_wait3A_89 = arith.constant 0 : i32
      %dma_wait3A_90 = arith.constant 0 : i32
      %dma_wait3A_91 = arith.constant 0 : i32
      %dma_wait3A_92 = tpu.memref_slice %arg9[%dma_wait3A_88, %dma_wait3A_90, %dma_wait3A_91] : memref<2x128x8xf32, #tpu.memory_space<vmem>> -> memref<1x128x8xf32, #tpu.memory_space<vmem>>
      %dma_wait3A_93 = tpu.memref_squeeze %dma_wait3A_92 : memref<1x128x8xf32, #tpu.memory_space<vmem>> -> memref<128x8xf32, #tpu.memory_space<vmem>>
      %dma_wait3A_94 = arith.constant 0 : i32
      %dma_wait3A_95 = tpu.memref_slice %arg7[%dma_wait3A_87, %dma_wait3A_94] : memref<16x128xi32, #tpu.memory_space<vmem>> -> memref<1x128xi32, #tpu.memory_space<vmem>>
      %dma_wait3A_96 = tpu.memref_squeeze %dma_wait3A_95 : memref<1x128xi32, #tpu.memory_space<vmem>> -> memref<128xi32, #tpu.memory_space<vmem>>
      %dma_wait3A_97 = arith.constant 0 : i32
      %dma_wait3A_98 = arith.constant 0 : i32
      %dma_wait3A_99 = tpu.memref_slice %arg2[%dma_wait3A_97, %dma_wait3A_98] : memref<102400x8xf32, #tpu.memory_space<hbm>> -> memref<102400x8xf32, #tpu.memory_space<hbm>>
      %dma_wait3A_100 = tpu.memref_slice %arg11[%dma_wait3A_89] : memref<2x!tpu.dma_semaphore, #tpu.memory_space<semaphore_mem>> -> memref<1x!tpu.dma_semaphore, #tpu.memory_space<semaphore_mem>>
      %dma_wait3A_101 = tpu.memref_squeeze %dma_wait3A_100 : memref<1x!tpu.dma_semaphore, #tpu.memory_space<semaphore_mem>> -> memref<!tpu.dma_semaphore, #tpu.memory_space<semaphore_mem>>
      tpu.wait_indirect_dma semaphore(%dma_wait3A_101 : memref<!tpu.dma_semaphore, #tpu.memory_space<semaphore_mem>>) src(%dma_wait3A_99 : memref<102400x8xf32, #tpu.memory_space<hbm>>) dst(%dma_wait3A_93 : memref<128x8xf32, #tpu.memory_space<vmem>>)
      %dma_start3A_102 = arith.constant 3 : i32
      %dma_start3A_103 = arith.constant 1 : i32
      %dma_start3A_104 = arith.constant 1 : i32
      %dma_start3A_105 = arith.constant 0 : i32
      %dma_start3A_106 = arith.constant 0 : i32
      %dma_start3A_107 = tpu.memref_slice %arg9[%dma_start3A_103, %dma_start3A_105, %dma_start3A_106] : memref<2x128x8xf32, #tpu.memory_space<vmem>> -> memref<1x128x8xf32, #tpu.memory_space<vmem>>
      %dma_start3A_108 = tpu.memref_squeeze %dma_start3A_107 : memref<1x128x8xf32, #tpu.memory_space<vmem>> -> memref<128x8xf32, #tpu.memory_space<vmem>>
      %dma_start3A_109 = arith.constant 0 : i32
      %dma_start3A_110 = tpu.memref_slice %arg7[%dma_start3A_102, %dma_start3A_109] : memref<16x128xi32, #tpu.memory_space<vmem>> -> memref<1x128xi32, #tpu.memory_space<vmem>>
      %dma_start3A_111 = tpu.memref_squeeze %dma_start3A_110 : memref<1x128xi32, #tpu.memory_space<vmem>> -> memref<128xi32, #tpu.memory_space<vmem>>
      %dma_start3A_112 = arith.constant 0 : i32
      %dma_start3A_113 = arith.constant 0 : i32
      %dma_start3A_114 = tpu.memref_slice %arg2[%dma_start3A_112, %dma_start3A_113] : memref<102400x8xf32, #tpu.memory_space<hbm>> -> memref<102400x8xf32, #tpu.memory_space<hbm>>
      %dma_start3A_115 = tpu.memref_slice %arg11[%dma_start3A_104] : memref<2x!tpu.dma_semaphore, #tpu.memory_space<semaphore_mem>> -> memref<1x!tpu.dma_semaphore, #tpu.memory_space<semaphore_mem>>
      %dma_start3A_116 = tpu.memref_squeeze %dma_start3A_115 : memref<1x!tpu.dma_semaphore, #tpu.memory_space<semaphore_mem>> -> memref<!tpu.dma_semaphore, #tpu.memory_space<semaphore_mem>>
      tpu.enqueue_indirect_dma source(%dma_start3A_114 : memref<102400x8xf32, #tpu.memory_space<hbm>>) target(%dma_start3A_108 : memref<128x8xf32, #tpu.memory_space<vmem>>) offsets(%dma_start3A_111 : memref<128xi32, #tpu.memory_space<vmem>>) semaphore(%dma_start3A_116 : memref<!tpu.dma_semaphore, #tpu.memory_space<semaphore_mem>>)
      %run_scoped3A_117 = arith.constant 0 : i32
      %run_scoped3A_118 = arith.constant 2 : i32
      "tpu.region"() ({
        %run_scoped3A_520 = tpu.sem_alloc : memref<!tpu.dma_semaphore, #tpu.memory_space<semaphore_mem>>
        %dma_start3A_521 = arith.constant 0 : i32
        %dma_start3A_522 = arith.constant 0 : i32
        %dma_start3A_523 = tpu.memref_slice %arg9[%run_scoped3A_117, %dma_start3A_521, %dma_start3A_522] : memref<2x128x8xf32, #tpu.memory_space<vmem>> -> memref<1x128x8xf32, #tpu.memory_space<vmem>>
        %dma_start3A_524 = tpu.memref_squeeze %dma_start3A_523 : memref<1x128x8xf32, #tpu.memory_space<vmem>> -> memref<128x8xf32, #tpu.memory_space<vmem>>
        %dma_start3A_525 = arith.constant 0 : i32
        %dma_start3A_526 = tpu.memref_slice %arg8[%run_scoped3A_118, %dma_start3A_525] : memref<16x128xi32, #tpu.memory_space<vmem>> -> memref<1x128xi32, #tpu.memory_space<vmem>>
        %dma_start3A_527 = tpu.memref_squeeze %dma_start3A_526 : memref<1x128xi32, #tpu.memory_space<vmem>> -> memref<128xi32, #tpu.memory_space<vmem>>
        %dma_start3A_528 = arith.constant 0 : i32
        %dma_start3A_529 = arith.constant 0 : i32
        %dma_start3A_530 = tpu.memref_slice %arg10[%dma_start3A_528, %dma_start3A_529] : memref<102400x8xf32, #tpu.memory_space<vmem_shared>> -> memref<102400x8xf32, #tpu.memory_space<vmem_shared>>
        tpu.enqueue_indirect_dma source(%dma_start3A_524 : memref<128x8xf32, #tpu.memory_space<vmem>>) target(%dma_start3A_530 : memref<102400x8xf32, #tpu.memory_space<vmem_shared>>) offsets(%dma_start3A_527 : memref<128xi32, #tpu.memory_space<vmem>>) semaphore(%run_scoped3A_520 : memref<!tpu.dma_semaphore, #tpu.memory_space<semaphore_mem>>) {add = true}
        %dma_wait3A_531 = arith.constant 0 : i32
        %dma_wait3A_532 = arith.constant 0 : i32
        %dma_wait3A_533 = tpu.memref_slice %arg9[%run_scoped3A_117, %dma_wait3A_531, %dma_wait3A_532] : memref<2x128x8xf32, #tpu.memory_space<vmem>> -> memref<1x128x8xf32, #tpu.memory_space<vmem>>
        %dma_wait3A_534 = tpu.memref_squeeze %dma_wait3A_533 : memref<1x128x8xf32, #tpu.memory_space<vmem>> -> memref<128x8xf32, #tpu.memory_space<vmem>>
        %dma_wait3A_535 = arith.constant 0 : i32
        %dma_wait3A_536 = tpu.memref_slice %arg8[%run_scoped3A_118, %dma_wait3A_535] : memref<16x128xi32, #tpu.memory_space<vmem>> -> memref<1x128xi32, #tpu.memory_space<vmem>>
        %dma_wait3A_537 = tpu.memref_squeeze %dma_wait3A_536 : memref<1x128xi32, #tpu.memory_space<vmem>> -> memref<128xi32, #tpu.memory_space<vmem>>
        %dma_wait3A_538 = arith.constant 0 : i32
        %dma_wait3A_539 = arith.constant 0 : i32
        %dma_wait3A_540 = tpu.memref_slice %arg10[%dma_wait3A_538, %dma_wait3A_539] : memref<102400x8xf32, #tpu.memory_space<vmem_shared>> -> memref<102400x8xf32, #tpu.memory_space<vmem_shared>>
        tpu.wait_indirect_dma semaphore(%run_scoped3A_520 : memref<!tpu.dma_semaphore, #tpu.memory_space<semaphore_mem>>) src(%dma_wait3A_534 : memref<128x8xf32, #tpu.memory_space<vmem>>) dst(%dma_wait3A_540 : memref<102400x8xf32, #tpu.memory_space<vmem_shared>>)
        tpu.yield
      }) : () -> ()
      %dma_wait3A_119 = arith.constant 3 : i32
      %dma_wait3A_120 = arith.constant 1 : i32
      %dma_wait3A_121 = arith.constant 1 : i32
      %dma_wait3A_122 = arith.constant 0 : i32
      %dma_wait3A_123 = arith.constant 0 : i32
      %dma_wait3A_124 = tpu.memref_slice %arg9[%dma_wait3A_120, %dma_wait3A_122, %dma_wait3A_123] : memref<2x128x8xf32, #tpu.memory_space<vmem>> -> memref<1x128x8xf32, #tpu.memory_space<vmem>>
      %dma_wait3A_125 = tpu.memref_squeeze %dma_wait3A_124 : memref<1x128x8xf32, #tpu.memory_space<vmem>> -> memref<128x8xf32, #tpu.memory_space<vmem>>
      %dma_wait3A_126 = arith.constant 0 : i32
      %dma_wait3A_127 = tpu.memref_slice %arg7[%dma_wait3A_119, %dma_wait3A_126] : memref<16x128xi32, #tpu.memory_space<vmem>> -> memref<1x128xi32, #tpu.memory_space<vmem>>
      %dma_wait3A_128 = tpu.memref_squeeze %dma_wait3A_127 : memref<1x128xi32, #tpu.memory_space<vmem>> -> memref<128xi32, #tpu.memory_space<vmem>>
      %dma_wait3A_129 = arith.constant 0 : i32
      %dma_wait3A_130 = arith.constant 0 : i32
      %dma_wait3A_131 = tpu.memref_slice %arg2[%dma_wait3A_129, %dma_wait3A_130] : memref<102400x8xf32, #tpu.memory_space<hbm>> -> memref<102400x8xf32, #tpu.memory_space<hbm>>
      %dma_wait3A_132 = tpu.memref_slice %arg11[%dma_wait3A_121] : memref<2x!tpu.dma_semaphore, #tpu.memory_space<semaphore_mem>> -> memref<1x!tpu.dma_semaphore, #tpu.memory_space<semaphore_mem>>
      %dma_wait3A_133 = tpu.memref_squeeze %dma_wait3A_132 : memref<1x!tpu.dma_semaphore, #tpu.memory_space<semaphore_mem>> -> memref<!tpu.dma_semaphore, #tpu.memory_space<semaphore_mem>>
      tpu.wait_indirect_dma semaphore(%dma_wait3A_133 : memref<!tpu.dma_semaphore, #tpu.memory_space<semaphore_mem>>) src(%dma_wait3A_131 : memref<102400x8xf32, #tpu.memory_space<hbm>>) dst(%dma_wait3A_125 : memref<128x8xf32, #tpu.memory_space<vmem>>)
      %dma_start3A_134 = arith.constant 4 : i32
      %dma_start3A_135 = arith.constant 0 : i32
      %dma_start3A_136 = arith.constant 0 : i32
      %dma_start3A_137 = arith.constant 0 : i32
      %dma_start3A_138 = arith.constant 0 : i32
      %dma_start3A_139 = tpu.memref_slice %arg9[%dma_start3A_135, %dma_start3A_137, %dma_start3A_138] : memref<2x128x8xf32, #tpu.memory_space<vmem>> -> memref<1x128x8xf32, #tpu.memory_space<vmem>>
      %dma_start3A_140 = tpu.memref_squeeze %dma_start3A_139 : memref<1x128x8xf32, #tpu.memory_space<vmem>> -> memref<128x8xf32, #tpu.memory_space<vmem>>
      %dma_start3A_141 = arith.constant 0 : i32
      %dma_start3A_142 = tpu.memref_slice %arg7[%dma_start3A_134, %dma_start3A_141] : memref<16x128xi32, #tpu.memory_space<vmem>> -> memref<1x128xi32, #tpu.memory_space<vmem>>
      %dma_start3A_143 = tpu.memref_squeeze %dma_start3A_142 : memref<1x128xi32, #tpu.memory_space<vmem>> -> memref<128xi32, #tpu.memory_space<vmem>>
      %dma_start3A_144 = arith.constant 0 : i32
      %dma_start3A_145 = arith.constant 0 : i32
      %dma_start3A_146 = tpu.memref_slice %arg2[%dma_start3A_144, %dma_start3A_145] : memref<102400x8xf32, #tpu.memory_space<hbm>> -> memref<102400x8xf32, #tpu.memory_space<hbm>>
      %dma_start3A_147 = tpu.memref_slice %arg11[%dma_start3A_136] : memref<2x!tpu.dma_semaphore, #tpu.memory_space<semaphore_mem>> -> memref<1x!tpu.dma_semaphore, #tpu.memory_space<semaphore_mem>>
      %dma_start3A_148 = tpu.memref_squeeze %dma_start3A_147 : memref<1x!tpu.dma_semaphore, #tpu.memory_space<semaphore_mem>> -> memref<!tpu.dma_semaphore, #tpu.memory_space<semaphore_mem>>
      tpu.enqueue_indirect_dma source(%dma_start3A_146 : memref<102400x8xf32, #tpu.memory_space<hbm>>) target(%dma_start3A_140 : memref<128x8xf32, #tpu.memory_space<vmem>>) offsets(%dma_start3A_143 : memref<128xi32, #tpu.memory_space<vmem>>) semaphore(%dma_start3A_148 : memref<!tpu.dma_semaphore, #tpu.memory_space<semaphore_mem>>)
      %run_scoped3A_149 = arith.constant 1 : i32
      %run_scoped3A_150 = arith.constant 3 : i32
      "tpu.region"() ({
        %run_scoped3A_520 = tpu.sem_alloc : memref<!tpu.dma_semaphore, #tpu.memory_space<semaphore_mem>>
        %dma_start3A_521 = arith.constant 0 : i32
        %dma_start3A_522 = arith.constant 0 : i32
        %dma_start3A_523 = tpu.memref_slice %arg9[%run_scoped3A_149, %dma_start3A_521, %dma_start3A_522] : memref<2x128x8xf32, #tpu.memory_space<vmem>> -> memref<1x128x8xf32, #tpu.memory_space<vmem>>
        %dma_start3A_524 = tpu.memref_squeeze %dma_start3A_523 : memref<1x128x8xf32, #tpu.memory_space<vmem>> -> memref<128x8xf32, #tpu.memory_space<vmem>>
        %dma_start3A_525 = arith.constant 0 : i32
        %dma_start3A_526 = tpu.memref_slice %arg8[%run_scoped3A_150, %dma_start3A_525] : memref<16x128xi32, #tpu.memory_space<vmem>> -> memref<1x128xi32, #tpu.memory_space<vmem>>
        %dma_start3A_527 = tpu.memref_squeeze %dma_start3A_526 : memref<1x128xi32, #tpu.memory_space<vmem>> -> memref<128xi32, #tpu.memory_space<vmem>>
        %dma_start3A_528 = arith.constant 0 : i32
        %dma_start3A_529 = arith.constant 0 : i32
        %dma_start3A_530 = tpu.memref_slice %arg10[%dma_start3A_528, %dma_start3A_529] : memref<102400x8xf32, #tpu.memory_space<vmem_shared>> -> memref<102400x8xf32, #tpu.memory_space<vmem_shared>>
        tpu.enqueue_indirect_dma source(%dma_start3A_524 : memref<128x8xf32, #tpu.memory_space<vmem>>) target(%dma_start3A_530 : memref<102400x8xf32, #tpu.memory_space<vmem_shared>>) offsets(%dma_start3A_527 : memref<128xi32, #tpu.memory_space<vmem>>) semaphore(%run_scoped3A_520 : memref<!tpu.dma_semaphore, #tpu.memory_space<semaphore_mem>>) {add = true}
        %dma_wait3A_531 = arith.constant 0 : i32
        %dma_wait3A_532 = arith.constant 0 : i32
        %dma_wait3A_533 = tpu.memref_slice %arg9[%run_scoped3A_149, %dma_wait3A_531, %dma_wait3A_532] : memref<2x128x8xf32, #tpu.memory_space<vmem>> -> memref<1x128x8xf32, #tpu.memory_space<vmem>>
        %dma_wait3A_534 = tpu.memref_squeeze %dma_wait3A_533 : memref<1x128x8xf32, #tpu.memory_space<vmem>> -> memref<128x8xf32, #tpu.memory_space<vmem>>
        %dma_wait3A_535 = arith.constant 0 : i32
        %dma_wait3A_536 = tpu.memref_slice %arg8[%run_scoped3A_150, %dma_wait3A_535] : memref<16x128xi32, #tpu.memory_space<vmem>> -> memref<1x128xi32, #tpu.memory_space<vmem>>
        %dma_wait3A_537 = tpu.memref_squeeze %dma_wait3A_536 : memref<1x128xi32, #tpu.memory_space<vmem>> -> memref<128xi32, #tpu.memory_space<vmem>>
        %dma_wait3A_538 = arith.constant 0 : i32
        %dma_wait3A_539 = arith.constant 0 : i32
        %dma_wait3A_540 = tpu.memref_slice %arg10[%dma_wait3A_538, %dma_wait3A_539] : memref<102400x8xf32, #tpu.memory_space<vmem_shared>> -> memref<102400x8xf32, #tpu.memory_space<vmem_shared>>
        tpu.wait_indirect_dma semaphore(%run_scoped3A_520 : memref<!tpu.dma_semaphore, #tpu.memory_space<semaphore_mem>>) src(%dma_wait3A_534 : memref<128x8xf32, #tpu.memory_space<vmem>>) dst(%dma_wait3A_540 : memref<102400x8xf32, #tpu.memory_space<vmem_shared>>)
        tpu.yield
      }) : () -> ()
      %dma_wait3A_151 = arith.constant 4 : i32
      %dma_wait3A_152 = arith.constant 0 : i32
      %dma_wait3A_153 = arith.constant 0 : i32
      %dma_wait3A_154 = arith.constant 0 : i32
      %dma_wait3A_155 = arith.constant 0 : i32
      %dma_wait3A_156 = tpu.memref_slice %arg9[%dma_wait3A_152, %dma_wait3A_154, %dma_wait3A_155] : memref<2x128x8xf32, #tpu.memory_space<vmem>> -> memref<1x128x8xf32, #tpu.memory_space<vmem>>
      %dma_wait3A_157 = tpu.memref_squeeze %dma_wait3A_156 : memref<1x128x8xf32, #tpu.memory_space<vmem>> -> memref<128x8xf32, #tpu.memory_space<vmem>>
      %dma_wait3A_158 = arith.constant 0 : i32
      %dma_wait3A_159 = tpu.memref_slice %arg7[%dma_wait3A_151, %dma_wait3A_158] : memref<16x128xi32, #tpu.memory_space<vmem>> -> memref<1x128xi32, #tpu.memory_space<vmem>>
      %dma_wait3A_160 = tpu.memref_squeeze %dma_wait3A_159 : memref<1x128xi32, #tpu.memory_space<vmem>> -> memref<128xi32, #tpu.memory_space<vmem>>
      %dma_wait3A_161 = arith.constant 0 : i32
      %dma_wait3A_162 = arith.constant 0 : i32
      %dma_wait3A_163 = tpu.memref_slice %arg2[%dma_wait3A_161, %dma_wait3A_162] : memref<102400x8xf32, #tpu.memory_space<hbm>> -> memref<102400x8xf32, #tpu.memory_space<hbm>>
      %dma_wait3A_164 = tpu.memref_slice %arg11[%dma_wait3A_153] : memref<2x!tpu.dma_semaphore, #tpu.memory_space<semaphore_mem>> -> memref<1x!tpu.dma_semaphore, #tpu.memory_space<semaphore_mem>>
      %dma_wait3A_165 = tpu.memref_squeeze %dma_wait3A_164 : memref<1x!tpu.dma_semaphore, #tpu.memory_space<semaphore_mem>> -> memref<!tpu.dma_semaphore, #tpu.memory_space<semaphore_mem>>
      tpu.wait_indirect_dma semaphore(%dma_wait3A_165 : memref<!tpu.dma_semaphore, #tpu.memory_space<semaphore_mem>>) src(%dma_wait3A_163 : memref<102400x8xf32, #tpu.memory_space<hbm>>) dst(%dma_wait3A_157 : memref<128x8xf32, #tpu.memory_space<vmem>>)
      %dma_start3A_166 = arith.constant 5 : i32
      %dma_start3A_167 = arith.constant 1 : i32
      %dma_start3A_168 = arith.constant 1 : i32
      %dma_start3A_169 = arith.constant 0 : i32
      %dma_start3A_170 = arith.constant 0 : i32
      %dma_start3A_171 = tpu.memref_slice %arg9[%dma_start3A_167, %dma_start3A_169, %dma_start3A_170] : memref<2x128x8xf32, #tpu.memory_space<vmem>> -> memref<1x128x8xf32, #tpu.memory_space<vmem>>
      %dma_start3A_172 = tpu.memref_squeeze %dma_start3A_171 : memref<1x128x8xf32, #tpu.memory_space<vmem>> -> memref<128x8xf32, #tpu.memory_space<vmem>>
      %dma_start3A_173 = arith.constant 0 : i32
      %dma_start3A_174 = tpu.memref_slice %arg7[%dma_start3A_166, %dma_start3A_173] : memref<16x128xi32, #tpu.memory_space<vmem>> -> memref<1x128xi32, #tpu.memory_space<vmem>>
      %dma_start3A_175 = tpu.memref_squeeze %dma_start3A_174 : memref<1x128xi32, #tpu.memory_space<vmem>> -> memref<128xi32, #tpu.memory_space<vmem>>
      %dma_start3A_176 = arith.constant 0 : i32
      %dma_start3A_177 = arith.constant 0 : i32
      %dma_start3A_178 = tpu.memref_slice %arg2[%dma_start3A_176, %dma_start3A_177] : memref<102400x8xf32, #tpu.memory_space<hbm>> -> memref<102400x8xf32, #tpu.memory_space<hbm>>
      %dma_start3A_179 = tpu.memref_slice %arg11[%dma_start3A_168] : memref<2x!tpu.dma_semaphore, #tpu.memory_space<semaphore_mem>> -> memref<1x!tpu.dma_semaphore, #tpu.memory_space<semaphore_mem>>
      %dma_start3A_180 = tpu.memref_squeeze %dma_start3A_179 : memref<1x!tpu.dma_semaphore, #tpu.memory_space<semaphore_mem>> -> memref<!tpu.dma_semaphore, #tpu.memory_space<semaphore_mem>>
      tpu.enqueue_indirect_dma source(%dma_start3A_178 : memref<102400x8xf32, #tpu.memory_space<hbm>>) target(%dma_start3A_172 : memref<128x8xf32, #tpu.memory_space<vmem>>) offsets(%dma_start3A_175 : memref<128xi32, #tpu.memory_space<vmem>>) semaphore(%dma_start3A_180 : memref<!tpu.dma_semaphore, #tpu.memory_space<semaphore_mem>>)
      %run_scoped3A_181 = arith.constant 0 : i32
      %run_scoped3A_182 = arith.constant 4 : i32
      "tpu.region"() ({
        %run_scoped3A_520 = tpu.sem_alloc : memref<!tpu.dma_semaphore, #tpu.memory_space<semaphore_mem>>
        %dma_start3A_521 = arith.constant 0 : i32
        %dma_start3A_522 = arith.constant 0 : i32
        %dma_start3A_523 = tpu.memref_slice %arg9[%run_scoped3A_181, %dma_start3A_521, %dma_start3A_522] : memref<2x128x8xf32, #tpu.memory_space<vmem>> -> memref<1x128x8xf32, #tpu.memory_space<vmem>>
        %dma_start3A_524 = tpu.memref_squeeze %dma_start3A_523 : memref<1x128x8xf32, #tpu.memory_space<vmem>> -> memref<128x8xf32, #tpu.memory_space<vmem>>
        %dma_start3A_525 = arith.constant 0 : i32
        %dma_start3A_526 = tpu.memref_slice %arg8[%run_scoped3A_182, %dma_start3A_525] : memref<16x128xi32, #tpu.memory_space<vmem>> -> memref<1x128xi32, #tpu.memory_space<vmem>>
        %dma_start3A_527 = tpu.memref_squeeze %dma_start3A_526 : memref<1x128xi32, #tpu.memory_space<vmem>> -> memref<128xi32, #tpu.memory_space<vmem>>
        %dma_start3A_528 = arith.constant 0 : i32
        %dma_start3A_529 = arith.constant 0 : i32
        %dma_start3A_530 = tpu.memref_slice %arg10[%dma_start3A_528, %dma_start3A_529] : memref<102400x8xf32, #tpu.memory_space<vmem_shared>> -> memref<102400x8xf32, #tpu.memory_space<vmem_shared>>
        tpu.enqueue_indirect_dma source(%dma_start3A_524 : memref<128x8xf32, #tpu.memory_space<vmem>>) target(%dma_start3A_530 : memref<102400x8xf32, #tpu.memory_space<vmem_shared>>) offsets(%dma_start3A_527 : memref<128xi32, #tpu.memory_space<vmem>>) semaphore(%run_scoped3A_520 : memref<!tpu.dma_semaphore, #tpu.memory_space<semaphore_mem>>) {add = true}
        %dma_wait3A_531 = arith.constant 0 : i32
        %dma_wait3A_532 = arith.constant 0 : i32
        %dma_wait3A_533 = tpu.memref_slice %arg9[%run_scoped3A_181, %dma_wait3A_531, %dma_wait3A_532] : memref<2x128x8xf32, #tpu.memory_space<vmem>> -> memref<1x128x8xf32, #tpu.memory_space<vmem>>
        %dma_wait3A_534 = tpu.memref_squeeze %dma_wait3A_533 : memref<1x128x8xf32, #tpu.memory_space<vmem>> -> memref<128x8xf32, #tpu.memory_space<vmem>>
        %dma_wait3A_535 = arith.constant 0 : i32
        %dma_wait3A_536 = tpu.memref_slice %arg8[%run_scoped3A_182, %dma_wait3A_535] : memref<16x128xi32, #tpu.memory_space<vmem>> -> memref<1x128xi32, #tpu.memory_space<vmem>>
        %dma_wait3A_537 = tpu.memref_squeeze %dma_wait3A_536 : memref<1x128xi32, #tpu.memory_space<vmem>> -> memref<128xi32, #tpu.memory_space<vmem>>
        %dma_wait3A_538 = arith.constant 0 : i32
        %dma_wait3A_539 = arith.constant 0 : i32
        %dma_wait3A_540 = tpu.memref_slice %arg10[%dma_wait3A_538, %dma_wait3A_539] : memref<102400x8xf32, #tpu.memory_space<vmem_shared>> -> memref<102400x8xf32, #tpu.memory_space<vmem_shared>>
        tpu.wait_indirect_dma semaphore(%run_scoped3A_520 : memref<!tpu.dma_semaphore, #tpu.memory_space<semaphore_mem>>) src(%dma_wait3A_534 : memref<128x8xf32, #tpu.memory_space<vmem>>) dst(%dma_wait3A_540 : memref<102400x8xf32, #tpu.memory_space<vmem_shared>>)
        tpu.yield
      }) : () -> ()
      %dma_wait3A_183 = arith.constant 5 : i32
      %dma_wait3A_184 = arith.constant 1 : i32
      %dma_wait3A_185 = arith.constant 1 : i32
      %dma_wait3A_186 = arith.constant 0 : i32
      %dma_wait3A_187 = arith.constant 0 : i32
      %dma_wait3A_188 = tpu.memref_slice %arg9[%dma_wait3A_184, %dma_wait3A_186, %dma_wait3A_187] : memref<2x128x8xf32, #tpu.memory_space<vmem>> -> memref<1x128x8xf32, #tpu.memory_space<vmem>>
      %dma_wait3A_189 = tpu.memref_squeeze %dma_wait3A_188 : memref<1x128x8xf32, #tpu.memory_space<vmem>> -> memref<128x8xf32, #tpu.memory_space<vmem>>
      %dma_wait3A_190 = arith.constant 0 : i32
      %dma_wait3A_191 = tpu.memref_slice %arg7[%dma_wait3A_183, %dma_wait3A_190] : memref<16x128xi32, #tpu.memory_space<vmem>> -> memref<1x128xi32, #tpu.memory_space<vmem>>
      %dma_wait3A_192 = tpu.memref_squeeze %dma_wait3A_191 : memref<1x128xi32, #tpu.memory_space<vmem>> -> memref<128xi32, #tpu.memory_space<vmem>>
      %dma_wait3A_193 = arith.constant 0 : i32
      %dma_wait3A_194 = arith.constant 0 : i32
      %dma_wait3A_195 = tpu.memref_slice %arg2[%dma_wait3A_193, %dma_wait3A_194] : memref<102400x8xf32, #tpu.memory_space<hbm>> -> memref<102400x8xf32, #tpu.memory_space<hbm>>
      %dma_wait3A_196 = tpu.memref_slice %arg11[%dma_wait3A_185] : memref<2x!tpu.dma_semaphore, #tpu.memory_space<semaphore_mem>> -> memref<1x!tpu.dma_semaphore, #tpu.memory_space<semaphore_mem>>
      %dma_wait3A_197 = tpu.memref_squeeze %dma_wait3A_196 : memref<1x!tpu.dma_semaphore, #tpu.memory_space<semaphore_mem>> -> memref<!tpu.dma_semaphore, #tpu.memory_space<semaphore_mem>>
      tpu.wait_indirect_dma semaphore(%dma_wait3A_197 : memref<!tpu.dma_semaphore, #tpu.memory_space<semaphore_mem>>) src(%dma_wait3A_195 : memref<102400x8xf32, #tpu.memory_space<hbm>>) dst(%dma_wait3A_189 : memref<128x8xf32, #tpu.memory_space<vmem>>)
      %dma_start3A_198 = arith.constant 6 : i32
      %dma_start3A_199 = arith.constant 0 : i32
      %dma_start3A_200 = arith.constant 0 : i32
      %dma_start3A_201 = arith.constant 0 : i32
      %dma_start3A_202 = arith.constant 0 : i32
      %dma_start3A_203 = tpu.memref_slice %arg9[%dma_start3A_199, %dma_start3A_201, %dma_start3A_202] : memref<2x128x8xf32, #tpu.memory_space<vmem>> -> memref<1x128x8xf32, #tpu.memory_space<vmem>>
      %dma_start3A_204 = tpu.memref_squeeze %dma_start3A_203 : memref<1x128x8xf32, #tpu.memory_space<vmem>> -> memref<128x8xf32, #tpu.memory_space<vmem>>
      %dma_start3A_205 = arith.constant 0 : i32
      %dma_start3A_206 = tpu.memref_slice %arg7[%dma_start3A_198, %dma_start3A_205] : memref<16x128xi32, #tpu.memory_space<vmem>> -> memref<1x128xi32, #tpu.memory_space<vmem>>
      %dma_start3A_207 = tpu.memref_squeeze %dma_start3A_206 : memref<1x128xi32, #tpu.memory_space<vmem>> -> memref<128xi32, #tpu.memory_space<vmem>>
      %dma_start3A_208 = arith.constant 0 : i32
      %dma_start3A_209 = arith.constant 0 : i32
      %dma_start3A_210 = tpu.memref_slice %arg2[%dma_start3A_208, %dma_start3A_209] : memref<102400x8xf32, #tpu.memory_space<hbm>> -> memref<102400x8xf32, #tpu.memory_space<hbm>>
      %dma_start3A_211 = tpu.memref_slice %arg11[%dma_start3A_200] : memref<2x!tpu.dma_semaphore, #tpu.memory_space<semaphore_mem>> -> memref<1x!tpu.dma_semaphore, #tpu.memory_space<semaphore_mem>>
      %dma_start3A_212 = tpu.memref_squeeze %dma_start3A_211 : memref<1x!tpu.dma_semaphore, #tpu.memory_space<semaphore_mem>> -> memref<!tpu.dma_semaphore, #tpu.memory_space<semaphore_mem>>
      tpu.enqueue_indirect_dma source(%dma_start3A_210 : memref<102400x8xf32, #tpu.memory_space<hbm>>) target(%dma_start3A_204 : memref<128x8xf32, #tpu.memory_space<vmem>>) offsets(%dma_start3A_207 : memref<128xi32, #tpu.memory_space<vmem>>) semaphore(%dma_start3A_212 : memref<!tpu.dma_semaphore, #tpu.memory_space<semaphore_mem>>)
      %run_scoped3A_213 = arith.constant 1 : i32
      %run_scoped3A_214 = arith.constant 5 : i32
      "tpu.region"() ({
        %run_scoped3A_520 = tpu.sem_alloc : memref<!tpu.dma_semaphore, #tpu.memory_space<semaphore_mem>>
        %dma_start3A_521 = arith.constant 0 : i32
        %dma_start3A_522 = arith.constant 0 : i32
        %dma_start3A_523 = tpu.memref_slice %arg9[%run_scoped3A_213, %dma_start3A_521, %dma_start3A_522] : memref<2x128x8xf32, #tpu.memory_space<vmem>> -> memref<1x128x8xf32, #tpu.memory_space<vmem>>
        %dma_start3A_524 = tpu.memref_squeeze %dma_start3A_523 : memref<1x128x8xf32, #tpu.memory_space<vmem>> -> memref<128x8xf32, #tpu.memory_space<vmem>>
        %dma_start3A_525 = arith.constant 0 : i32
        %dma_start3A_526 = tpu.memref_slice %arg8[%run_scoped3A_214, %dma_start3A_525] : memref<16x128xi32, #tpu.memory_space<vmem>> -> memref<1x128xi32, #tpu.memory_space<vmem>>
        %dma_start3A_527 = tpu.memref_squeeze %dma_start3A_526 : memref<1x128xi32, #tpu.memory_space<vmem>> -> memref<128xi32, #tpu.memory_space<vmem>>
        %dma_start3A_528 = arith.constant 0 : i32
        %dma_start3A_529 = arith.constant 0 : i32
        %dma_start3A_530 = tpu.memref_slice %arg10[%dma_start3A_528, %dma_start3A_529] : memref<102400x8xf32, #tpu.memory_space<vmem_shared>> -> memref<102400x8xf32, #tpu.memory_space<vmem_shared>>
        tpu.enqueue_indirect_dma source(%dma_start3A_524 : memref<128x8xf32, #tpu.memory_space<vmem>>) target(%dma_start3A_530 : memref<102400x8xf32, #tpu.memory_space<vmem_shared>>) offsets(%dma_start3A_527 : memref<128xi32, #tpu.memory_space<vmem>>) semaphore(%run_scoped3A_520 : memref<!tpu.dma_semaphore, #tpu.memory_space<semaphore_mem>>) {add = true}
        %dma_wait3A_531 = arith.constant 0 : i32
        %dma_wait3A_532 = arith.constant 0 : i32
        %dma_wait3A_533 = tpu.memref_slice %arg9[%run_scoped3A_213, %dma_wait3A_531, %dma_wait3A_532] : memref<2x128x8xf32, #tpu.memory_space<vmem>> -> memref<1x128x8xf32, #tpu.memory_space<vmem>>
        %dma_wait3A_534 = tpu.memref_squeeze %dma_wait3A_533 : memref<1x128x8xf32, #tpu.memory_space<vmem>> -> memref<128x8xf32, #tpu.memory_space<vmem>>
        %dma_wait3A_535 = arith.constant 0 : i32
        %dma_wait3A_536 = tpu.memref_slice %arg8[%run_scoped3A_214, %dma_wait3A_535] : memref<16x128xi32, #tpu.memory_space<vmem>> -> memref<1x128xi32, #tpu.memory_space<vmem>>
        %dma_wait3A_537 = tpu.memref_squeeze %dma_wait3A_536 : memref<1x128xi32, #tpu.memory_space<vmem>> -> memref<128xi32, #tpu.memory_space<vmem>>
        %dma_wait3A_538 = arith.constant 0 : i32
        %dma_wait3A_539 = arith.constant 0 : i32
        %dma_wait3A_540 = tpu.memref_slice %arg10[%dma_wait3A_538, %dma_wait3A_539] : memref<102400x8xf32, #tpu.memory_space<vmem_shared>> -> memref<102400x8xf32, #tpu.memory_space<vmem_shared>>
        tpu.wait_indirect_dma semaphore(%run_scoped3A_520 : memref<!tpu.dma_semaphore, #tpu.memory_space<semaphore_mem>>) src(%dma_wait3A_534 : memref<128x8xf32, #tpu.memory_space<vmem>>) dst(%dma_wait3A_540 : memref<102400x8xf32, #tpu.memory_space<vmem_shared>>)
        tpu.yield
      }) : () -> ()
      %dma_wait3A_215 = arith.constant 6 : i32
      %dma_wait3A_216 = arith.constant 0 : i32
      %dma_wait3A_217 = arith.constant 0 : i32
      %dma_wait3A_218 = arith.constant 0 : i32
      %dma_wait3A_219 = arith.constant 0 : i32
      %dma_wait3A_220 = tpu.memref_slice %arg9[%dma_wait3A_216, %dma_wait3A_218, %dma_wait3A_219] : memref<2x128x8xf32, #tpu.memory_space<vmem>> -> memref<1x128x8xf32, #tpu.memory_space<vmem>>
      %dma_wait3A_221 = tpu.memref_squeeze %dma_wait3A_220 : memref<1x128x8xf32, #tpu.memory_space<vmem>> -> memref<128x8xf32, #tpu.memory_space<vmem>>
      %dma_wait3A_222 = arith.constant 0 : i32
      %dma_wait3A_223 = tpu.memref_slice %arg7[%dma_wait3A_215, %dma_wait3A_222] : memref<16x128xi32, #tpu.memory_space<vmem>> -> memref<1x128xi32, #tpu.memory_space<vmem>>
      %dma_wait3A_224 = tpu.memref_squeeze %dma_wait3A_223 : memref<1x128xi32, #tpu.memory_space<vmem>> -> memref<128xi32, #tpu.memory_space<vmem>>
      %dma_wait3A_225 = arith.constant 0 : i32
      %dma_wait3A_226 = arith.constant 0 : i32
      %dma_wait3A_227 = tpu.memref_slice %arg2[%dma_wait3A_225, %dma_wait3A_226] : memref<102400x8xf32, #tpu.memory_space<hbm>> -> memref<102400x8xf32, #tpu.memory_space<hbm>>
      %dma_wait3A_228 = tpu.memref_slice %arg11[%dma_wait3A_217] : memref<2x!tpu.dma_semaphore, #tpu.memory_space<semaphore_mem>> -> memref<1x!tpu.dma_semaphore, #tpu.memory_space<semaphore_mem>>
      %dma_wait3A_229 = tpu.memref_squeeze %dma_wait3A_228 : memref<1x!tpu.dma_semaphore, #tpu.memory_space<semaphore_mem>> -> memref<!tpu.dma_semaphore, #tpu.memory_space<semaphore_mem>>
      tpu.wait_indirect_dma semaphore(%dma_wait3A_229 : memref<!tpu.dma_semaphore, #tpu.memory_space<semaphore_mem>>) src(%dma_wait3A_227 : memref<102400x8xf32, #tpu.memory_space<hbm>>) dst(%dma_wait3A_221 : memref<128x8xf32, #tpu.memory_space<vmem>>)
      %dma_start3A_230 = arith.constant 7 : i32
      %dma_start3A_231 = arith.constant 1 : i32
      %dma_start3A_232 = arith.constant 1 : i32
      %dma_start3A_233 = arith.constant 0 : i32
      %dma_start3A_234 = arith.constant 0 : i32
      %dma_start3A_235 = tpu.memref_slice %arg9[%dma_start3A_231, %dma_start3A_233, %dma_start3A_234] : memref<2x128x8xf32, #tpu.memory_space<vmem>> -> memref<1x128x8xf32, #tpu.memory_space<vmem>>
      %dma_start3A_236 = tpu.memref_squeeze %dma_start3A_235 : memref<1x128x8xf32, #tpu.memory_space<vmem>> -> memref<128x8xf32, #tpu.memory_space<vmem>>
      %dma_start3A_237 = arith.constant 0 : i32
      %dma_start3A_238 = tpu.memref_slice %arg7[%dma_start3A_230, %dma_start3A_237] : memref<16x128xi32, #tpu.memory_space<vmem>> -> memref<1x128xi32, #tpu.memory_space<vmem>>
      %dma_start3A_239 = tpu.memref_squeeze %dma_start3A_238 : memref<1x128xi32, #tpu.memory_space<vmem>> -> memref<128xi32, #tpu.memory_space<vmem>>
      %dma_start3A_240 = arith.constant 0 : i32
      %dma_start3A_241 = arith.constant 0 : i32
      %dma_start3A_242 = tpu.memref_slice %arg2[%dma_start3A_240, %dma_start3A_241] : memref<102400x8xf32, #tpu.memory_space<hbm>> -> memref<102400x8xf32, #tpu.memory_space<hbm>>
      %dma_start3A_243 = tpu.memref_slice %arg11[%dma_start3A_232] : memref<2x!tpu.dma_semaphore, #tpu.memory_space<semaphore_mem>> -> memref<1x!tpu.dma_semaphore, #tpu.memory_space<semaphore_mem>>
      %dma_start3A_244 = tpu.memref_squeeze %dma_start3A_243 : memref<1x!tpu.dma_semaphore, #tpu.memory_space<semaphore_mem>> -> memref<!tpu.dma_semaphore, #tpu.memory_space<semaphore_mem>>
      tpu.enqueue_indirect_dma source(%dma_start3A_242 : memref<102400x8xf32, #tpu.memory_space<hbm>>) target(%dma_start3A_236 : memref<128x8xf32, #tpu.memory_space<vmem>>) offsets(%dma_start3A_239 : memref<128xi32, #tpu.memory_space<vmem>>) semaphore(%dma_start3A_244 : memref<!tpu.dma_semaphore, #tpu.memory_space<semaphore_mem>>)
      %run_scoped3A_245 = arith.constant 0 : i32
      %run_scoped3A_246 = arith.constant 6 : i32
      "tpu.region"() ({
        %run_scoped3A_520 = tpu.sem_alloc : memref<!tpu.dma_semaphore, #tpu.memory_space<semaphore_mem>>
        %dma_start3A_521 = arith.constant 0 : i32
        %dma_start3A_522 = arith.constant 0 : i32
        %dma_start3A_523 = tpu.memref_slice %arg9[%run_scoped3A_245, %dma_start3A_521, %dma_start3A_522] : memref<2x128x8xf32, #tpu.memory_space<vmem>> -> memref<1x128x8xf32, #tpu.memory_space<vmem>>
        %dma_start3A_524 = tpu.memref_squeeze %dma_start3A_523 : memref<1x128x8xf32, #tpu.memory_space<vmem>> -> memref<128x8xf32, #tpu.memory_space<vmem>>
        %dma_start3A_525 = arith.constant 0 : i32
        %dma_start3A_526 = tpu.memref_slice %arg8[%run_scoped3A_246, %dma_start3A_525] : memref<16x128xi32, #tpu.memory_space<vmem>> -> memref<1x128xi32, #tpu.memory_space<vmem>>
        %dma_start3A_527 = tpu.memref_squeeze %dma_start3A_526 : memref<1x128xi32, #tpu.memory_space<vmem>> -> memref<128xi32, #tpu.memory_space<vmem>>
        %dma_start3A_528 = arith.constant 0 : i32
        %dma_start3A_529 = arith.constant 0 : i32
        %dma_start3A_530 = tpu.memref_slice %arg10[%dma_start3A_528, %dma_start3A_529] : memref<102400x8xf32, #tpu.memory_space<vmem_shared>> -> memref<102400x8xf32, #tpu.memory_space<vmem_shared>>
        tpu.enqueue_indirect_dma source(%dma_start3A_524 : memref<128x8xf32, #tpu.memory_space<vmem>>) target(%dma_start3A_530 : memref<102400x8xf32, #tpu.memory_space<vmem_shared>>) offsets(%dma_start3A_527 : memref<128xi32, #tpu.memory_space<vmem>>) semaphore(%run_scoped3A_520 : memref<!tpu.dma_semaphore, #tpu.memory_space<semaphore_mem>>) {add = true}
        %dma_wait3A_531 = arith.constant 0 : i32
        %dma_wait3A_532 = arith.constant 0 : i32
        %dma_wait3A_533 = tpu.memref_slice %arg9[%run_scoped3A_245, %dma_wait3A_531, %dma_wait3A_532] : memref<2x128x8xf32, #tpu.memory_space<vmem>> -> memref<1x128x8xf32, #tpu.memory_space<vmem>>
        %dma_wait3A_534 = tpu.memref_squeeze %dma_wait3A_533 : memref<1x128x8xf32, #tpu.memory_space<vmem>> -> memref<128x8xf32, #tpu.memory_space<vmem>>
        %dma_wait3A_535 = arith.constant 0 : i32
        %dma_wait3A_536 = tpu.memref_slice %arg8[%run_scoped3A_246, %dma_wait3A_535] : memref<16x128xi32, #tpu.memory_space<vmem>> -> memref<1x128xi32, #tpu.memory_space<vmem>>
        %dma_wait3A_537 = tpu.memref_squeeze %dma_wait3A_536 : memref<1x128xi32, #tpu.memory_space<vmem>> -> memref<128xi32, #tpu.memory_space<vmem>>
        %dma_wait3A_538 = arith.constant 0 : i32
        %dma_wait3A_539 = arith.constant 0 : i32
        %dma_wait3A_540 = tpu.memref_slice %arg10[%dma_wait3A_538, %dma_wait3A_539] : memref<102400x8xf32, #tpu.memory_space<vmem_shared>> -> memref<102400x8xf32, #tpu.memory_space<vmem_shared>>
        tpu.wait_indirect_dma semaphore(%run_scoped3A_520 : memref<!tpu.dma_semaphore, #tpu.memory_space<semaphore_mem>>) src(%dma_wait3A_534 : memref<128x8xf32, #tpu.memory_space<vmem>>) dst(%dma_wait3A_540 : memref<102400x8xf32, #tpu.memory_space<vmem_shared>>)
        tpu.yield
      }) : () -> ()
      %dma_wait3A_247 = arith.constant 7 : i32
      %dma_wait3A_248 = arith.constant 1 : i32
      %dma_wait3A_249 = arith.constant 1 : i32
      %dma_wait3A_250 = arith.constant 0 : i32
      %dma_wait3A_251 = arith.constant 0 : i32
      %dma_wait3A_252 = tpu.memref_slice %arg9[%dma_wait3A_248, %dma_wait3A_250, %dma_wait3A_251] : memref<2x128x8xf32, #tpu.memory_space<vmem>> -> memref<1x128x8xf32, #tpu.memory_space<vmem>>
      %dma_wait3A_253 = tpu.memref_squeeze %dma_wait3A_252 : memref<1x128x8xf32, #tpu.memory_space<vmem>> -> memref<128x8xf32, #tpu.memory_space<vmem>>
      %dma_wait3A_254 = arith.constant 0 : i32
      %dma_wait3A_255 = tpu.memref_slice %arg7[%dma_wait3A_247, %dma_wait3A_254] : memref<16x128xi32, #tpu.memory_space<vmem>> -> memref<1x128xi32, #tpu.memory_space<vmem>>
      %dma_wait3A_256 = tpu.memref_squeeze %dma_wait3A_255 : memref<1x128xi32, #tpu.memory_space<vmem>> -> memref<128xi32, #tpu.memory_space<vmem>>
      %dma_wait3A_257 = arith.constant 0 : i32
      %dma_wait3A_258 = arith.constant 0 : i32
      %dma_wait3A_259 = tpu.memref_slice %arg2[%dma_wait3A_257, %dma_wait3A_258] : memref<102400x8xf32, #tpu.memory_space<hbm>> -> memref<102400x8xf32, #tpu.memory_space<hbm>>
      %dma_wait3A_260 = tpu.memref_slice %arg11[%dma_wait3A_249] : memref<2x!tpu.dma_semaphore, #tpu.memory_space<semaphore_mem>> -> memref<1x!tpu.dma_semaphore, #tpu.memory_space<semaphore_mem>>
      %dma_wait3A_261 = tpu.memref_squeeze %dma_wait3A_260 : memref<1x!tpu.dma_semaphore, #tpu.memory_space<semaphore_mem>> -> memref<!tpu.dma_semaphore, #tpu.memory_space<semaphore_mem>>
      tpu.wait_indirect_dma semaphore(%dma_wait3A_261 : memref<!tpu.dma_semaphore, #tpu.memory_space<semaphore_mem>>) src(%dma_wait3A_259 : memref<102400x8xf32, #tpu.memory_space<hbm>>) dst(%dma_wait3A_253 : memref<128x8xf32, #tpu.memory_space<vmem>>)
      %dma_start3A_262 = arith.constant 8 : i32
      %dma_start3A_263 = arith.constant 0 : i32
      %dma_start3A_264 = arith.constant 0 : i32
      %dma_start3A_265 = arith.constant 0 : i32
      %dma_start3A_266 = arith.constant 0 : i32
      %dma_start3A_267 = tpu.memref_slice %arg9[%dma_start3A_263, %dma_start3A_265, %dma_start3A_266] : memref<2x128x8xf32, #tpu.memory_space<vmem>> -> memref<1x128x8xf32, #tpu.memory_space<vmem>>
      %dma_start3A_268 = tpu.memref_squeeze %dma_start3A_267 : memref<1x128x8xf32, #tpu.memory_space<vmem>> -> memref<128x8xf32, #tpu.memory_space<vmem>>
      %dma_start3A_269 = arith.constant 0 : i32
      %dma_start3A_270 = tpu.memref_slice %arg7[%dma_start3A_262, %dma_start3A_269] : memref<16x128xi32, #tpu.memory_space<vmem>> -> memref<1x128xi32, #tpu.memory_space<vmem>>
      %dma_start3A_271 = tpu.memref_squeeze %dma_start3A_270 : memref<1x128xi32, #tpu.memory_space<vmem>> -> memref<128xi32, #tpu.memory_space<vmem>>
      %dma_start3A_272 = arith.constant 0 : i32
      %dma_start3A_273 = arith.constant 0 : i32
      %dma_start3A_274 = tpu.memref_slice %arg2[%dma_start3A_272, %dma_start3A_273] : memref<102400x8xf32, #tpu.memory_space<hbm>> -> memref<102400x8xf32, #tpu.memory_space<hbm>>
      %dma_start3A_275 = tpu.memref_slice %arg11[%dma_start3A_264] : memref<2x!tpu.dma_semaphore, #tpu.memory_space<semaphore_mem>> -> memref<1x!tpu.dma_semaphore, #tpu.memory_space<semaphore_mem>>
      %dma_start3A_276 = tpu.memref_squeeze %dma_start3A_275 : memref<1x!tpu.dma_semaphore, #tpu.memory_space<semaphore_mem>> -> memref<!tpu.dma_semaphore, #tpu.memory_space<semaphore_mem>>
      tpu.enqueue_indirect_dma source(%dma_start3A_274 : memref<102400x8xf32, #tpu.memory_space<hbm>>) target(%dma_start3A_268 : memref<128x8xf32, #tpu.memory_space<vmem>>) offsets(%dma_start3A_271 : memref<128xi32, #tpu.memory_space<vmem>>) semaphore(%dma_start3A_276 : memref<!tpu.dma_semaphore, #tpu.memory_space<semaphore_mem>>)
      %run_scoped3A_277 = arith.constant 1 : i32
      %run_scoped3A_278 = arith.constant 7 : i32
      "tpu.region"() ({
        %run_scoped3A_520 = tpu.sem_alloc : memref<!tpu.dma_semaphore, #tpu.memory_space<semaphore_mem>>
        %dma_start3A_521 = arith.constant 0 : i32
        %dma_start3A_522 = arith.constant 0 : i32
        %dma_start3A_523 = tpu.memref_slice %arg9[%run_scoped3A_277, %dma_start3A_521, %dma_start3A_522] : memref<2x128x8xf32, #tpu.memory_space<vmem>> -> memref<1x128x8xf32, #tpu.memory_space<vmem>>
        %dma_start3A_524 = tpu.memref_squeeze %dma_start3A_523 : memref<1x128x8xf32, #tpu.memory_space<vmem>> -> memref<128x8xf32, #tpu.memory_space<vmem>>
        %dma_start3A_525 = arith.constant 0 : i32
        %dma_start3A_526 = tpu.memref_slice %arg8[%run_scoped3A_278, %dma_start3A_525] : memref<16x128xi32, #tpu.memory_space<vmem>> -> memref<1x128xi32, #tpu.memory_space<vmem>>
        %dma_start3A_527 = tpu.memref_squeeze %dma_start3A_526 : memref<1x128xi32, #tpu.memory_space<vmem>> -> memref<128xi32, #tpu.memory_space<vmem>>
        %dma_start3A_528 = arith.constant 0 : i32
        %dma_start3A_529 = arith.constant 0 : i32
        %dma_start3A_530 = tpu.memref_slice %arg10[%dma_start3A_528, %dma_start3A_529] : memref<102400x8xf32, #tpu.memory_space<vmem_shared>> -> memref<102400x8xf32, #tpu.memory_space<vmem_shared>>
        tpu.enqueue_indirect_dma source(%dma_start3A_524 : memref<128x8xf32, #tpu.memory_space<vmem>>) target(%dma_start3A_530 : memref<102400x8xf32, #tpu.memory_space<vmem_shared>>) offsets(%dma_start3A_527 : memref<128xi32, #tpu.memory_space<vmem>>) semaphore(%run_scoped3A_520 : memref<!tpu.dma_semaphore, #tpu.memory_space<semaphore_mem>>) {add = true}
        %dma_wait3A_531 = arith.constant 0 : i32
        %dma_wait3A_532 = arith.constant 0 : i32
        %dma_wait3A_533 = tpu.memref_slice %arg9[%run_scoped3A_277, %dma_wait3A_531, %dma_wait3A_532] : memref<2x128x8xf32, #tpu.memory_space<vmem>> -> memref<1x128x8xf32, #tpu.memory_space<vmem>>
        %dma_wait3A_534 = tpu.memref_squeeze %dma_wait3A_533 : memref<1x128x8xf32, #tpu.memory_space<vmem>> -> memref<128x8xf32, #tpu.memory_space<vmem>>
        %dma_wait3A_535 = arith.constant 0 : i32
        %dma_wait3A_536 = tpu.memref_slice %arg8[%run_scoped3A_278, %dma_wait3A_535] : memref<16x128xi32, #tpu.memory_space<vmem>> -> memref<1x128xi32, #tpu.memory_space<vmem>>
        %dma_wait3A_537 = tpu.memref_squeeze %dma_wait3A_536 : memref<1x128xi32, #tpu.memory_space<vmem>> -> memref<128xi32, #tpu.memory_space<vmem>>
        %dma_wait3A_538 = arith.constant 0 : i32
        %dma_wait3A_539 = arith.constant 0 : i32
        %dma_wait3A_540 = tpu.memref_slice %arg10[%dma_wait3A_538, %dma_wait3A_539] : memref<102400x8xf32, #tpu.memory_space<vmem_shared>> -> memref<102400x8xf32, #tpu.memory_space<vmem_shared>>
        tpu.wait_indirect_dma semaphore(%run_scoped3A_520 : memref<!tpu.dma_semaphore, #tpu.memory_space<semaphore_mem>>) src(%dma_wait3A_534 : memref<128x8xf32, #tpu.memory_space<vmem>>) dst(%dma_wait3A_540 : memref<102400x8xf32, #tpu.memory_space<vmem_shared>>)
        tpu.yield
      }) : () -> ()
      %dma_wait3A_279 = arith.constant 8 : i32
      %dma_wait3A_280 = arith.constant 0 : i32
      %dma_wait3A_281 = arith.constant 0 : i32
      %dma_wait3A_282 = arith.constant 0 : i32
      %dma_wait3A_283 = arith.constant 0 : i32
      %dma_wait3A_284 = tpu.memref_slice %arg9[%dma_wait3A_280, %dma_wait3A_282, %dma_wait3A_283] : memref<2x128x8xf32, #tpu.memory_space<vmem>> -> memref<1x128x8xf32, #tpu.memory_space<vmem>>
      %dma_wait3A_285 = tpu.memref_squeeze %dma_wait3A_284 : memref<1x128x8xf32, #tpu.memory_space<vmem>> -> memref<128x8xf32, #tpu.memory_space<vmem>>
      %dma_wait3A_286 = arith.constant 0 : i32
      %dma_wait3A_287 = tpu.memref_slice %arg7[%dma_wait3A_279, %dma_wait3A_286] : memref<16x128xi32, #tpu.memory_space<vmem>> -> memref<1x128xi32, #tpu.memory_space<vmem>>
      %dma_wait3A_288 = tpu.memref_squeeze %dma_wait3A_287 : memref<1x128xi32, #tpu.memory_space<vmem>> -> memref<128xi32, #tpu.memory_space<vmem>>
      %dma_wait3A_289 = arith.constant 0 : i32
      %dma_wait3A_290 = arith.constant 0 : i32
      %dma_wait3A_291 = tpu.memref_slice %arg2[%dma_wait3A_289, %dma_wait3A_290] : memref<102400x8xf32, #tpu.memory_space<hbm>> -> memref<102400x8xf32, #tpu.memory_space<hbm>>
      %dma_wait3A_292 = tpu.memref_slice %arg11[%dma_wait3A_281] : memref<2x!tpu.dma_semaphore, #tpu.memory_space<semaphore_mem>> -> memref<1x!tpu.dma_semaphore, #tpu.memory_space<semaphore_mem>>
      %dma_wait3A_293 = tpu.memref_squeeze %dma_wait3A_292 : memref<1x!tpu.dma_semaphore, #tpu.memory_space<semaphore_mem>> -> memref<!tpu.dma_semaphore, #tpu.memory_space<semaphore_mem>>
      tpu.wait_indirect_dma semaphore(%dma_wait3A_293 : memref<!tpu.dma_semaphore, #tpu.memory_space<semaphore_mem>>) src(%dma_wait3A_291 : memref<102400x8xf32, #tpu.memory_space<hbm>>) dst(%dma_wait3A_285 : memref<128x8xf32, #tpu.memory_space<vmem>>)
      %dma_start3A_294 = arith.constant 9 : i32
      %dma_start3A_295 = arith.constant 1 : i32
      %dma_start3A_296 = arith.constant 1 : i32
      %dma_start3A_297 = arith.constant 0 : i32
      %dma_start3A_298 = arith.constant 0 : i32
      %dma_start3A_299 = tpu.memref_slice %arg9[%dma_start3A_295, %dma_start3A_297, %dma_start3A_298] : memref<2x128x8xf32, #tpu.memory_space<vmem>> -> memref<1x128x8xf32, #tpu.memory_space<vmem>>
      %dma_start3A_300 = tpu.memref_squeeze %dma_start3A_299 : memref<1x128x8xf32, #tpu.memory_space<vmem>> -> memref<128x8xf32, #tpu.memory_space<vmem>>
      %dma_start3A_301 = arith.constant 0 : i32
      %dma_start3A_302 = tpu.memref_slice %arg7[%dma_start3A_294, %dma_start3A_301] : memref<16x128xi32, #tpu.memory_space<vmem>> -> memref<1x128xi32, #tpu.memory_space<vmem>>
      %dma_start3A_303 = tpu.memref_squeeze %dma_start3A_302 : memref<1x128xi32, #tpu.memory_space<vmem>> -> memref<128xi32, #tpu.memory_space<vmem>>
      %dma_start3A_304 = arith.constant 0 : i32
      %dma_start3A_305 = arith.constant 0 : i32
      %dma_start3A_306 = tpu.memref_slice %arg2[%dma_start3A_304, %dma_start3A_305] : memref<102400x8xf32, #tpu.memory_space<hbm>> -> memref<102400x8xf32, #tpu.memory_space<hbm>>
      %dma_start3A_307 = tpu.memref_slice %arg11[%dma_start3A_296] : memref<2x!tpu.dma_semaphore, #tpu.memory_space<semaphore_mem>> -> memref<1x!tpu.dma_semaphore, #tpu.memory_space<semaphore_mem>>
      %dma_start3A_308 = tpu.memref_squeeze %dma_start3A_307 : memref<1x!tpu.dma_semaphore, #tpu.memory_space<semaphore_mem>> -> memref<!tpu.dma_semaphore, #tpu.memory_space<semaphore_mem>>
      tpu.enqueue_indirect_dma source(%dma_start3A_306 : memref<102400x8xf32, #tpu.memory_space<hbm>>) target(%dma_start3A_300 : memref<128x8xf32, #tpu.memory_space<vmem>>) offsets(%dma_start3A_303 : memref<128xi32, #tpu.memory_space<vmem>>) semaphore(%dma_start3A_308 : memref<!tpu.dma_semaphore, #tpu.memory_space<semaphore_mem>>)
      %run_scoped3A_309 = arith.constant 0 : i32
      %run_scoped3A_310 = arith.constant 8 : i32
      "tpu.region"() ({
        %run_scoped3A_520 = tpu.sem_alloc : memref<!tpu.dma_semaphore, #tpu.memory_space<semaphore_mem>>
        %dma_start3A_521 = arith.constant 0 : i32
        %dma_start3A_522 = arith.constant 0 : i32
        %dma_start3A_523 = tpu.memref_slice %arg9[%run_scoped3A_309, %dma_start3A_521, %dma_start3A_522] : memref<2x128x8xf32, #tpu.memory_space<vmem>> -> memref<1x128x8xf32, #tpu.memory_space<vmem>>
        %dma_start3A_524 = tpu.memref_squeeze %dma_start3A_523 : memref<1x128x8xf32, #tpu.memory_space<vmem>> -> memref<128x8xf32, #tpu.memory_space<vmem>>
        %dma_start3A_525 = arith.constant 0 : i32
        %dma_start3A_526 = tpu.memref_slice %arg8[%run_scoped3A_310, %dma_start3A_525] : memref<16x128xi32, #tpu.memory_space<vmem>> -> memref<1x128xi32, #tpu.memory_space<vmem>>
        %dma_start3A_527 = tpu.memref_squeeze %dma_start3A_526 : memref<1x128xi32, #tpu.memory_space<vmem>> -> memref<128xi32, #tpu.memory_space<vmem>>
        %dma_start3A_528 = arith.constant 0 : i32
        %dma_start3A_529 = arith.constant 0 : i32
        %dma_start3A_530 = tpu.memref_slice %arg10[%dma_start3A_528, %dma_start3A_529] : memref<102400x8xf32, #tpu.memory_space<vmem_shared>> -> memref<102400x8xf32, #tpu.memory_space<vmem_shared>>
        tpu.enqueue_indirect_dma source(%dma_start3A_524 : memref<128x8xf32, #tpu.memory_space<vmem>>) target(%dma_start3A_530 : memref<102400x8xf32, #tpu.memory_space<vmem_shared>>) offsets(%dma_start3A_527 : memref<128xi32, #tpu.memory_space<vmem>>) semaphore(%run_scoped3A_520 : memref<!tpu.dma_semaphore, #tpu.memory_space<semaphore_mem>>) {add = true}
        %dma_wait3A_531 = arith.constant 0 : i32
        %dma_wait3A_532 = arith.constant 0 : i32
        %dma_wait3A_533 = tpu.memref_slice %arg9[%run_scoped3A_309, %dma_wait3A_531, %dma_wait3A_532] : memref<2x128x8xf32, #tpu.memory_space<vmem>> -> memref<1x128x8xf32, #tpu.memory_space<vmem>>
        %dma_wait3A_534 = tpu.memref_squeeze %dma_wait3A_533 : memref<1x128x8xf32, #tpu.memory_space<vmem>> -> memref<128x8xf32, #tpu.memory_space<vmem>>
        %dma_wait3A_535 = arith.constant 0 : i32
        %dma_wait3A_536 = tpu.memref_slice %arg8[%run_scoped3A_310, %dma_wait3A_535] : memref<16x128xi32, #tpu.memory_space<vmem>> -> memref<1x128xi32, #tpu.memory_space<vmem>>
        %dma_wait3A_537 = tpu.memref_squeeze %dma_wait3A_536 : memref<1x128xi32, #tpu.memory_space<vmem>> -> memref<128xi32, #tpu.memory_space<vmem>>
        %dma_wait3A_538 = arith.constant 0 : i32
        %dma_wait3A_539 = arith.constant 0 : i32
        %dma_wait3A_540 = tpu.memref_slice %arg10[%dma_wait3A_538, %dma_wait3A_539] : memref<102400x8xf32, #tpu.memory_space<vmem_shared>> -> memref<102400x8xf32, #tpu.memory_space<vmem_shared>>
        tpu.wait_indirect_dma semaphore(%run_scoped3A_520 : memref<!tpu.dma_semaphore, #tpu.memory_space<semaphore_mem>>) src(%dma_wait3A_534 : memref<128x8xf32, #tpu.memory_space<vmem>>) dst(%dma_wait3A_540 : memref<102400x8xf32, #tpu.memory_space<vmem_shared>>)
        tpu.yield
      }) : () -> ()
      %dma_wait3A_311 = arith.constant 9 : i32
      %dma_wait3A_312 = arith.constant 1 : i32
      %dma_wait3A_313 = arith.constant 1 : i32
      %dma_wait3A_314 = arith.constant 0 : i32
      %dma_wait3A_315 = arith.constant 0 : i32
      %dma_wait3A_316 = tpu.memref_slice %arg9[%dma_wait3A_312, %dma_wait3A_314, %dma_wait3A_315] : memref<2x128x8xf32, #tpu.memory_space<vmem>> -> memref<1x128x8xf32, #tpu.memory_space<vmem>>
      %dma_wait3A_317 = tpu.memref_squeeze %dma_wait3A_316 : memref<1x128x8xf32, #tpu.memory_space<vmem>> -> memref<128x8xf32, #tpu.memory_space<vmem>>
      %dma_wait3A_318 = arith.constant 0 : i32
      %dma_wait3A_319 = tpu.memref_slice %arg7[%dma_wait3A_311, %dma_wait3A_318] : memref<16x128xi32, #tpu.memory_space<vmem>> -> memref<1x128xi32, #tpu.memory_space<vmem>>
      %dma_wait3A_320 = tpu.memref_squeeze %dma_wait3A_319 : memref<1x128xi32, #tpu.memory_space<vmem>> -> memref<128xi32, #tpu.memory_space<vmem>>
      %dma_wait3A_321 = arith.constant 0 : i32
      %dma_wait3A_322 = arith.constant 0 : i32
      %dma_wait3A_323 = tpu.memref_slice %arg2[%dma_wait3A_321, %dma_wait3A_322] : memref<102400x8xf32, #tpu.memory_space<hbm>> -> memref<102400x8xf32, #tpu.memory_space<hbm>>
      %dma_wait3A_324 = tpu.memref_slice %arg11[%dma_wait3A_313] : memref<2x!tpu.dma_semaphore, #tpu.memory_space<semaphore_mem>> -> memref<1x!tpu.dma_semaphore, #tpu.memory_space<semaphore_mem>>
      %dma_wait3A_325 = tpu.memref_squeeze %dma_wait3A_324 : memref<1x!tpu.dma_semaphore, #tpu.memory_space<semaphore_mem>> -> memref<!tpu.dma_semaphore, #tpu.memory_space<semaphore_mem>>
      tpu.wait_indirect_dma semaphore(%dma_wait3A_325 : memref<!tpu.dma_semaphore, #tpu.memory_space<semaphore_mem>>) src(%dma_wait3A_323 : memref<102400x8xf32, #tpu.memory_space<hbm>>) dst(%dma_wait3A_317 : memref<128x8xf32, #tpu.memory_space<vmem>>)
      %dma_start3A_326 = arith.constant 10 : i32
      %dma_start3A_327 = arith.constant 0 : i32
      %dma_start3A_328 = arith.constant 0 : i32
      %dma_start3A_329 = arith.constant 0 : i32
      %dma_start3A_330 = arith.constant 0 : i32
      %dma_start3A_331 = tpu.memref_slice %arg9[%dma_start3A_327, %dma_start3A_329, %dma_start3A_330] : memref<2x128x8xf32, #tpu.memory_space<vmem>> -> memref<1x128x8xf32, #tpu.memory_space<vmem>>
      %dma_start3A_332 = tpu.memref_squeeze %dma_start3A_331 : memref<1x128x8xf32, #tpu.memory_space<vmem>> -> memref<128x8xf32, #tpu.memory_space<vmem>>
      %dma_start3A_333 = arith.constant 0 : i32
      %dma_start3A_334 = tpu.memref_slice %arg7[%dma_start3A_326, %dma_start3A_333] : memref<16x128xi32, #tpu.memory_space<vmem>> -> memref<1x128xi32, #tpu.memory_space<vmem>>
      %dma_start3A_335 = tpu.memref_squeeze %dma_start3A_334 : memref<1x128xi32, #tpu.memory_space<vmem>> -> memref<128xi32, #tpu.memory_space<vmem>>
      %dma_start3A_336 = arith.constant 0 : i32
      %dma_start3A_337 = arith.constant 0 : i32
      %dma_start3A_338 = tpu.memref_slice %arg2[%dma_start3A_336, %dma_start3A_337] : memref<102400x8xf32, #tpu.memory_space<hbm>> -> memref<102400x8xf32, #tpu.memory_space<hbm>>
      %dma_start3A_339 = tpu.memref_slice %arg11[%dma_start3A_328] : memref<2x!tpu.dma_semaphore, #tpu.memory_space<semaphore_mem>> -> memref<1x!tpu.dma_semaphore, #tpu.memory_space<semaphore_mem>>
      %dma_start3A_340 = tpu.memref_squeeze %dma_start3A_339 : memref<1x!tpu.dma_semaphore, #tpu.memory_space<semaphore_mem>> -> memref<!tpu.dma_semaphore, #tpu.memory_space<semaphore_mem>>
      tpu.enqueue_indirect_dma source(%dma_start3A_338 : memref<102400x8xf32, #tpu.memory_space<hbm>>) target(%dma_start3A_332 : memref<128x8xf32, #tpu.memory_space<vmem>>) offsets(%dma_start3A_335 : memref<128xi32, #tpu.memory_space<vmem>>) semaphore(%dma_start3A_340 : memref<!tpu.dma_semaphore, #tpu.memory_space<semaphore_mem>>)
      %run_scoped3A_341 = arith.constant 1 : i32
      %run_scoped3A_342 = arith.constant 9 : i32
      "tpu.region"() ({
        %run_scoped3A_520 = tpu.sem_alloc : memref<!tpu.dma_semaphore, #tpu.memory_space<semaphore_mem>>
        %dma_start3A_521 = arith.constant 0 : i32
        %dma_start3A_522 = arith.constant 0 : i32
        %dma_start3A_523 = tpu.memref_slice %arg9[%run_scoped3A_341, %dma_start3A_521, %dma_start3A_522] : memref<2x128x8xf32, #tpu.memory_space<vmem>> -> memref<1x128x8xf32, #tpu.memory_space<vmem>>
        %dma_start3A_524 = tpu.memref_squeeze %dma_start3A_523 : memref<1x128x8xf32, #tpu.memory_space<vmem>> -> memref<128x8xf32, #tpu.memory_space<vmem>>
        %dma_start3A_525 = arith.constant 0 : i32
        %dma_start3A_526 = tpu.memref_slice %arg8[%run_scoped3A_342, %dma_start3A_525] : memref<16x128xi32, #tpu.memory_space<vmem>> -> memref<1x128xi32, #tpu.memory_space<vmem>>
        %dma_start3A_527 = tpu.memref_squeeze %dma_start3A_526 : memref<1x128xi32, #tpu.memory_space<vmem>> -> memref<128xi32, #tpu.memory_space<vmem>>
        %dma_start3A_528 = arith.constant 0 : i32
        %dma_start3A_529 = arith.constant 0 : i32
        %dma_start3A_530 = tpu.memref_slice %arg10[%dma_start3A_528, %dma_start3A_529] : memref<102400x8xf32, #tpu.memory_space<vmem_shared>> -> memref<102400x8xf32, #tpu.memory_space<vmem_shared>>
        tpu.enqueue_indirect_dma source(%dma_start3A_524 : memref<128x8xf32, #tpu.memory_space<vmem>>) target(%dma_start3A_530 : memref<102400x8xf32, #tpu.memory_space<vmem_shared>>) offsets(%dma_start3A_527 : memref<128xi32, #tpu.memory_space<vmem>>) semaphore(%run_scoped3A_520 : memref<!tpu.dma_semaphore, #tpu.memory_space<semaphore_mem>>) {add = true}
        %dma_wait3A_531 = arith.constant 0 : i32
        %dma_wait3A_532 = arith.constant 0 : i32
        %dma_wait3A_533 = tpu.memref_slice %arg9[%run_scoped3A_341, %dma_wait3A_531, %dma_wait3A_532] : memref<2x128x8xf32, #tpu.memory_space<vmem>> -> memref<1x128x8xf32, #tpu.memory_space<vmem>>
        %dma_wait3A_534 = tpu.memref_squeeze %dma_wait3A_533 : memref<1x128x8xf32, #tpu.memory_space<vmem>> -> memref<128x8xf32, #tpu.memory_space<vmem>>
        %dma_wait3A_535 = arith.constant 0 : i32
        %dma_wait3A_536 = tpu.memref_slice %arg8[%run_scoped3A_342, %dma_wait3A_535] : memref<16x128xi32, #tpu.memory_space<vmem>> -> memref<1x128xi32, #tpu.memory_space<vmem>>
        %dma_wait3A_537 = tpu.memref_squeeze %dma_wait3A_536 : memref<1x128xi32, #tpu.memory_space<vmem>> -> memref<128xi32, #tpu.memory_space<vmem>>
        %dma_wait3A_538 = arith.constant 0 : i32
        %dma_wait3A_539 = arith.constant 0 : i32
        %dma_wait3A_540 = tpu.memref_slice %arg10[%dma_wait3A_538, %dma_wait3A_539] : memref<102400x8xf32, #tpu.memory_space<vmem_shared>> -> memref<102400x8xf32, #tpu.memory_space<vmem_shared>>
        tpu.wait_indirect_dma semaphore(%run_scoped3A_520 : memref<!tpu.dma_semaphore, #tpu.memory_space<semaphore_mem>>) src(%dma_wait3A_534 : memref<128x8xf32, #tpu.memory_space<vmem>>) dst(%dma_wait3A_540 : memref<102400x8xf32, #tpu.memory_space<vmem_shared>>)
        tpu.yield
      }) : () -> ()
      %dma_wait3A_343 = arith.constant 10 : i32
      %dma_wait3A_344 = arith.constant 0 : i32
      %dma_wait3A_345 = arith.constant 0 : i32
      %dma_wait3A_346 = arith.constant 0 : i32
      %dma_wait3A_347 = arith.constant 0 : i32
      %dma_wait3A_348 = tpu.memref_slice %arg9[%dma_wait3A_344, %dma_wait3A_346, %dma_wait3A_347] : memref<2x128x8xf32, #tpu.memory_space<vmem>> -> memref<1x128x8xf32, #tpu.memory_space<vmem>>
      %dma_wait3A_349 = tpu.memref_squeeze %dma_wait3A_348 : memref<1x128x8xf32, #tpu.memory_space<vmem>> -> memref<128x8xf32, #tpu.memory_space<vmem>>
      %dma_wait3A_350 = arith.constant 0 : i32
      %dma_wait3A_351 = tpu.memref_slice %arg7[%dma_wait3A_343, %dma_wait3A_350] : memref<16x128xi32, #tpu.memory_space<vmem>> -> memref<1x128xi32, #tpu.memory_space<vmem>>
      %dma_wait3A_352 = tpu.memref_squeeze %dma_wait3A_351 : memref<1x128xi32, #tpu.memory_space<vmem>> -> memref<128xi32, #tpu.memory_space<vmem>>
      %dma_wait3A_353 = arith.constant 0 : i32
      %dma_wait3A_354 = arith.constant 0 : i32
      %dma_wait3A_355 = tpu.memref_slice %arg2[%dma_wait3A_353, %dma_wait3A_354] : memref<102400x8xf32, #tpu.memory_space<hbm>> -> memref<102400x8xf32, #tpu.memory_space<hbm>>
      %dma_wait3A_356 = tpu.memref_slice %arg11[%dma_wait3A_345] : memref<2x!tpu.dma_semaphore, #tpu.memory_space<semaphore_mem>> -> memref<1x!tpu.dma_semaphore, #tpu.memory_space<semaphore_mem>>
      %dma_wait3A_357 = tpu.memref_squeeze %dma_wait3A_356 : memref<1x!tpu.dma_semaphore, #tpu.memory_space<semaphore_mem>> -> memref<!tpu.dma_semaphore, #tpu.memory_space<semaphore_mem>>
      tpu.wait_indirect_dma semaphore(%dma_wait3A_357 : memref<!tpu.dma_semaphore, #tpu.memory_space<semaphore_mem>>) src(%dma_wait3A_355 : memref<102400x8xf32, #tpu.memory_space<hbm>>) dst(%dma_wait3A_349 : memref<128x8xf32, #tpu.memory_space<vmem>>)
      %dma_start3A_358 = arith.constant 11 : i32
      %dma_start3A_359 = arith.constant 1 : i32
      %dma_start3A_360 = arith.constant 1 : i32
      %dma_start3A_361 = arith.constant 0 : i32
      %dma_start3A_362 = arith.constant 0 : i32
      %dma_start3A_363 = tpu.memref_slice %arg9[%dma_start3A_359, %dma_start3A_361, %dma_start3A_362] : memref<2x128x8xf32, #tpu.memory_space<vmem>> -> memref<1x128x8xf32, #tpu.memory_space<vmem>>
      %dma_start3A_364 = tpu.memref_squeeze %dma_start3A_363 : memref<1x128x8xf32, #tpu.memory_space<vmem>> -> memref<128x8xf32, #tpu.memory_space<vmem>>
      %dma_start3A_365 = arith.constant 0 : i32
      %dma_start3A_366 = tpu.memref_slice %arg7[%dma_start3A_358, %dma_start3A_365] : memref<16x128xi32, #tpu.memory_space<vmem>> -> memref<1x128xi32, #tpu.memory_space<vmem>>
      %dma_start3A_367 = tpu.memref_squeeze %dma_start3A_366 : memref<1x128xi32, #tpu.memory_space<vmem>> -> memref<128xi32, #tpu.memory_space<vmem>>
      %dma_start3A_368 = arith.constant 0 : i32
      %dma_start3A_369 = arith.constant 0 : i32
      %dma_start3A_370 = tpu.memref_slice %arg2[%dma_start3A_368, %dma_start3A_369] : memref<102400x8xf32, #tpu.memory_space<hbm>> -> memref<102400x8xf32, #tpu.memory_space<hbm>>
      %dma_start3A_371 = tpu.memref_slice %arg11[%dma_start3A_360] : memref<2x!tpu.dma_semaphore, #tpu.memory_space<semaphore_mem>> -> memref<1x!tpu.dma_semaphore, #tpu.memory_space<semaphore_mem>>
      %dma_start3A_372 = tpu.memref_squeeze %dma_start3A_371 : memref<1x!tpu.dma_semaphore, #tpu.memory_space<semaphore_mem>> -> memref<!tpu.dma_semaphore, #tpu.memory_space<semaphore_mem>>
      tpu.enqueue_indirect_dma source(%dma_start3A_370 : memref<102400x8xf32, #tpu.memory_space<hbm>>) target(%dma_start3A_364 : memref<128x8xf32, #tpu.memory_space<vmem>>) offsets(%dma_start3A_367 : memref<128xi32, #tpu.memory_space<vmem>>) semaphore(%dma_start3A_372 : memref<!tpu.dma_semaphore, #tpu.memory_space<semaphore_mem>>)
      %run_scoped3A_373 = arith.constant 0 : i32
      %run_scoped3A_374 = arith.constant 10 : i32
      "tpu.region"() ({
        %run_scoped3A_520 = tpu.sem_alloc : memref<!tpu.dma_semaphore, #tpu.memory_space<semaphore_mem>>
        %dma_start3A_521 = arith.constant 0 : i32
        %dma_start3A_522 = arith.constant 0 : i32
        %dma_start3A_523 = tpu.memref_slice %arg9[%run_scoped3A_373, %dma_start3A_521, %dma_start3A_522] : memref<2x128x8xf32, #tpu.memory_space<vmem>> -> memref<1x128x8xf32, #tpu.memory_space<vmem>>
        %dma_start3A_524 = tpu.memref_squeeze %dma_start3A_523 : memref<1x128x8xf32, #tpu.memory_space<vmem>> -> memref<128x8xf32, #tpu.memory_space<vmem>>
        %dma_start3A_525 = arith.constant 0 : i32
        %dma_start3A_526 = tpu.memref_slice %arg8[%run_scoped3A_374, %dma_start3A_525] : memref<16x128xi32, #tpu.memory_space<vmem>> -> memref<1x128xi32, #tpu.memory_space<vmem>>
        %dma_start3A_527 = tpu.memref_squeeze %dma_start3A_526 : memref<1x128xi32, #tpu.memory_space<vmem>> -> memref<128xi32, #tpu.memory_space<vmem>>
        %dma_start3A_528 = arith.constant 0 : i32
        %dma_start3A_529 = arith.constant 0 : i32
        %dma_start3A_530 = tpu.memref_slice %arg10[%dma_start3A_528, %dma_start3A_529] : memref<102400x8xf32, #tpu.memory_space<vmem_shared>> -> memref<102400x8xf32, #tpu.memory_space<vmem_shared>>
        tpu.enqueue_indirect_dma source(%dma_start3A_524 : memref<128x8xf32, #tpu.memory_space<vmem>>) target(%dma_start3A_530 : memref<102400x8xf32, #tpu.memory_space<vmem_shared>>) offsets(%dma_start3A_527 : memref<128xi32, #tpu.memory_space<vmem>>) semaphore(%run_scoped3A_520 : memref<!tpu.dma_semaphore, #tpu.memory_space<semaphore_mem>>) {add = true}
        %dma_wait3A_531 = arith.constant 0 : i32
        %dma_wait3A_532 = arith.constant 0 : i32
        %dma_wait3A_533 = tpu.memref_slice %arg9[%run_scoped3A_373, %dma_wait3A_531, %dma_wait3A_532] : memref<2x128x8xf32, #tpu.memory_space<vmem>> -> memref<1x128x8xf32, #tpu.memory_space<vmem>>
        %dma_wait3A_534 = tpu.memref_squeeze %dma_wait3A_533 : memref<1x128x8xf32, #tpu.memory_space<vmem>> -> memref<128x8xf32, #tpu.memory_space<vmem>>
        %dma_wait3A_535 = arith.constant 0 : i32
        %dma_wait3A_536 = tpu.memref_slice %arg8[%run_scoped3A_374, %dma_wait3A_535] : memref<16x128xi32, #tpu.memory_space<vmem>> -> memref<1x128xi32, #tpu.memory_space<vmem>>
        %dma_wait3A_537 = tpu.memref_squeeze %dma_wait3A_536 : memref<1x128xi32, #tpu.memory_space<vmem>> -> memref<128xi32, #tpu.memory_space<vmem>>
        %dma_wait3A_538 = arith.constant 0 : i32
        %dma_wait3A_539 = arith.constant 0 : i32
        %dma_wait3A_540 = tpu.memref_slice %arg10[%dma_wait3A_538, %dma_wait3A_539] : memref<102400x8xf32, #tpu.memory_space<vmem_shared>> -> memref<102400x8xf32, #tpu.memory_space<vmem_shared>>
        tpu.wait_indirect_dma semaphore(%run_scoped3A_520 : memref<!tpu.dma_semaphore, #tpu.memory_space<semaphore_mem>>) src(%dma_wait3A_534 : memref<128x8xf32, #tpu.memory_space<vmem>>) dst(%dma_wait3A_540 : memref<102400x8xf32, #tpu.memory_space<vmem_shared>>)
        tpu.yield
      }) : () -> ()
      %dma_wait3A_375 = arith.constant 11 : i32
      %dma_wait3A_376 = arith.constant 1 : i32
      %dma_wait3A_377 = arith.constant 1 : i32
      %dma_wait3A_378 = arith.constant 0 : i32
      %dma_wait3A_379 = arith.constant 0 : i32
      %dma_wait3A_380 = tpu.memref_slice %arg9[%dma_wait3A_376, %dma_wait3A_378, %dma_wait3A_379] : memref<2x128x8xf32, #tpu.memory_space<vmem>> -> memref<1x128x8xf32, #tpu.memory_space<vmem>>
      %dma_wait3A_381 = tpu.memref_squeeze %dma_wait3A_380 : memref<1x128x8xf32, #tpu.memory_space<vmem>> -> memref<128x8xf32, #tpu.memory_space<vmem>>
      %dma_wait3A_382 = arith.constant 0 : i32
      %dma_wait3A_383 = tpu.memref_slice %arg7[%dma_wait3A_375, %dma_wait3A_382] : memref<16x128xi32, #tpu.memory_space<vmem>> -> memref<1x128xi32, #tpu.memory_space<vmem>>
      %dma_wait3A_384 = tpu.memref_squeeze %dma_wait3A_383 : memref<1x128xi32, #tpu.memory_space<vmem>> -> memref<128xi32, #tpu.memory_space<vmem>>
      %dma_wait3A_385 = arith.constant 0 : i32
      %dma_wait3A_386 = arith.constant 0 : i32
      %dma_wait3A_387 = tpu.memref_slice %arg2[%dma_wait3A_385, %dma_wait3A_386] : memref<102400x8xf32, #tpu.memory_space<hbm>> -> memref<102400x8xf32, #tpu.memory_space<hbm>>
      %dma_wait3A_388 = tpu.memref_slice %arg11[%dma_wait3A_377] : memref<2x!tpu.dma_semaphore, #tpu.memory_space<semaphore_mem>> -> memref<1x!tpu.dma_semaphore, #tpu.memory_space<semaphore_mem>>
      %dma_wait3A_389 = tpu.memref_squeeze %dma_wait3A_388 : memref<1x!tpu.dma_semaphore, #tpu.memory_space<semaphore_mem>> -> memref<!tpu.dma_semaphore, #tpu.memory_space<semaphore_mem>>
      tpu.wait_indirect_dma semaphore(%dma_wait3A_389 : memref<!tpu.dma_semaphore, #tpu.memory_space<semaphore_mem>>) src(%dma_wait3A_387 : memref<102400x8xf32, #tpu.memory_space<hbm>>) dst(%dma_wait3A_381 : memref<128x8xf32, #tpu.memory_space<vmem>>)
      %dma_start3A_390 = arith.constant 12 : i32
      %dma_start3A_391 = arith.constant 0 : i32
      %dma_start3A_392 = arith.constant 0 : i32
      %dma_start3A_393 = arith.constant 0 : i32
      %dma_start3A_394 = arith.constant 0 : i32
      %dma_start3A_395 = tpu.memref_slice %arg9[%dma_start3A_391, %dma_start3A_393, %dma_start3A_394] : memref<2x128x8xf32, #tpu.memory_space<vmem>> -> memref<1x128x8xf32, #tpu.memory_space<vmem>>
      %dma_start3A_396 = tpu.memref_squeeze %dma_start3A_395 : memref<1x128x8xf32, #tpu.memory_space<vmem>> -> memref<128x8xf32, #tpu.memory_space<vmem>>
      %dma_start3A_397 = arith.constant 0 : i32
      %dma_start3A_398 = tpu.memref_slice %arg7[%dma_start3A_390, %dma_start3A_397] : memref<16x128xi32, #tpu.memory_space<vmem>> -> memref<1x128xi32, #tpu.memory_space<vmem>>
      %dma_start3A_399 = tpu.memref_squeeze %dma_start3A_398 : memref<1x128xi32, #tpu.memory_space<vmem>> -> memref<128xi32, #tpu.memory_space<vmem>>
      %dma_start3A_400 = arith.constant 0 : i32
      %dma_start3A_401 = arith.constant 0 : i32
      %dma_start3A_402 = tpu.memref_slice %arg2[%dma_start3A_400, %dma_start3A_401] : memref<102400x8xf32, #tpu.memory_space<hbm>> -> memref<102400x8xf32, #tpu.memory_space<hbm>>
      %dma_start3A_403 = tpu.memref_slice %arg11[%dma_start3A_392] : memref<2x!tpu.dma_semaphore, #tpu.memory_space<semaphore_mem>> -> memref<1x!tpu.dma_semaphore, #tpu.memory_space<semaphore_mem>>
      %dma_start3A_404 = tpu.memref_squeeze %dma_start3A_403 : memref<1x!tpu.dma_semaphore, #tpu.memory_space<semaphore_mem>> -> memref<!tpu.dma_semaphore, #tpu.memory_space<semaphore_mem>>
      tpu.enqueue_indirect_dma source(%dma_start3A_402 : memref<102400x8xf32, #tpu.memory_space<hbm>>) target(%dma_start3A_396 : memref<128x8xf32, #tpu.memory_space<vmem>>) offsets(%dma_start3A_399 : memref<128xi32, #tpu.memory_space<vmem>>) semaphore(%dma_start3A_404 : memref<!tpu.dma_semaphore, #tpu.memory_space<semaphore_mem>>)
      %run_scoped3A_405 = arith.constant 1 : i32
      %run_scoped3A_406 = arith.constant 11 : i32
      "tpu.region"() ({
        %run_scoped3A_520 = tpu.sem_alloc : memref<!tpu.dma_semaphore, #tpu.memory_space<semaphore_mem>>
        %dma_start3A_521 = arith.constant 0 : i32
        %dma_start3A_522 = arith.constant 0 : i32
        %dma_start3A_523 = tpu.memref_slice %arg9[%run_scoped3A_405, %dma_start3A_521, %dma_start3A_522] : memref<2x128x8xf32, #tpu.memory_space<vmem>> -> memref<1x128x8xf32, #tpu.memory_space<vmem>>
        %dma_start3A_524 = tpu.memref_squeeze %dma_start3A_523 : memref<1x128x8xf32, #tpu.memory_space<vmem>> -> memref<128x8xf32, #tpu.memory_space<vmem>>
        %dma_start3A_525 = arith.constant 0 : i32
        %dma_start3A_526 = tpu.memref_slice %arg8[%run_scoped3A_406, %dma_start3A_525] : memref<16x128xi32, #tpu.memory_space<vmem>> -> memref<1x128xi32, #tpu.memory_space<vmem>>
        %dma_start3A_527 = tpu.memref_squeeze %dma_start3A_526 : memref<1x128xi32, #tpu.memory_space<vmem>> -> memref<128xi32, #tpu.memory_space<vmem>>
        %dma_start3A_528 = arith.constant 0 : i32
        %dma_start3A_529 = arith.constant 0 : i32
        %dma_start3A_530 = tpu.memref_slice %arg10[%dma_start3A_528, %dma_start3A_529] : memref<102400x8xf32, #tpu.memory_space<vmem_shared>> -> memref<102400x8xf32, #tpu.memory_space<vmem_shared>>
        tpu.enqueue_indirect_dma source(%dma_start3A_524 : memref<128x8xf32, #tpu.memory_space<vmem>>) target(%dma_start3A_530 : memref<102400x8xf32, #tpu.memory_space<vmem_shared>>) offsets(%dma_start3A_527 : memref<128xi32, #tpu.memory_space<vmem>>) semaphore(%run_scoped3A_520 : memref<!tpu.dma_semaphore, #tpu.memory_space<semaphore_mem>>) {add = true}
        %dma_wait3A_531 = arith.constant 0 : i32
        %dma_wait3A_532 = arith.constant 0 : i32
        %dma_wait3A_533 = tpu.memref_slice %arg9[%run_scoped3A_405, %dma_wait3A_531, %dma_wait3A_532] : memref<2x128x8xf32, #tpu.memory_space<vmem>> -> memref<1x128x8xf32, #tpu.memory_space<vmem>>
        %dma_wait3A_534 = tpu.memref_squeeze %dma_wait3A_533 : memref<1x128x8xf32, #tpu.memory_space<vmem>> -> memref<128x8xf32, #tpu.memory_space<vmem>>
        %dma_wait3A_535 = arith.constant 0 : i32
        %dma_wait3A_536 = tpu.memref_slice %arg8[%run_scoped3A_406, %dma_wait3A_535] : memref<16x128xi32, #tpu.memory_space<vmem>> -> memref<1x128xi32, #tpu.memory_space<vmem>>
        %dma_wait3A_537 = tpu.memref_squeeze %dma_wait3A_536 : memref<1x128xi32, #tpu.memory_space<vmem>> -> memref<128xi32, #tpu.memory_space<vmem>>
        %dma_wait3A_538 = arith.constant 0 : i32
        %dma_wait3A_539 = arith.constant 0 : i32
        %dma_wait3A_540 = tpu.memref_slice %arg10[%dma_wait3A_538, %dma_wait3A_539] : memref<102400x8xf32, #tpu.memory_space<vmem_shared>> -> memref<102400x8xf32, #tpu.memory_space<vmem_shared>>
        tpu.wait_indirect_dma semaphore(%run_scoped3A_520 : memref<!tpu.dma_semaphore, #tpu.memory_space<semaphore_mem>>) src(%dma_wait3A_534 : memref<128x8xf32, #tpu.memory_space<vmem>>) dst(%dma_wait3A_540 : memref<102400x8xf32, #tpu.memory_space<vmem_shared>>)
        tpu.yield
      }) : () -> ()
      %dma_wait3A_407 = arith.constant 12 : i32
      %dma_wait3A_408 = arith.constant 0 : i32
      %dma_wait3A_409 = arith.constant 0 : i32
      %dma_wait3A_410 = arith.constant 0 : i32
      %dma_wait3A_411 = arith.constant 0 : i32
      %dma_wait3A_412 = tpu.memref_slice %arg9[%dma_wait3A_408, %dma_wait3A_410, %dma_wait3A_411] : memref<2x128x8xf32, #tpu.memory_space<vmem>> -> memref<1x128x8xf32, #tpu.memory_space<vmem>>
      %dma_wait3A_413 = tpu.memref_squeeze %dma_wait3A_412 : memref<1x128x8xf32, #tpu.memory_space<vmem>> -> memref<128x8xf32, #tpu.memory_space<vmem>>
      %dma_wait3A_414 = arith.constant 0 : i32
      %dma_wait3A_415 = tpu.memref_slice %arg7[%dma_wait3A_407, %dma_wait3A_414] : memref<16x128xi32, #tpu.memory_space<vmem>> -> memref<1x128xi32, #tpu.memory_space<vmem>>
      %dma_wait3A_416 = tpu.memref_squeeze %dma_wait3A_415 : memref<1x128xi32, #tpu.memory_space<vmem>> -> memref<128xi32, #tpu.memory_space<vmem>>
      %dma_wait3A_417 = arith.constant 0 : i32
      %dma_wait3A_418 = arith.constant 0 : i32
      %dma_wait3A_419 = tpu.memref_slice %arg2[%dma_wait3A_417, %dma_wait3A_418] : memref<102400x8xf32, #tpu.memory_space<hbm>> -> memref<102400x8xf32, #tpu.memory_space<hbm>>
      %dma_wait3A_420 = tpu.memref_slice %arg11[%dma_wait3A_409] : memref<2x!tpu.dma_semaphore, #tpu.memory_space<semaphore_mem>> -> memref<1x!tpu.dma_semaphore, #tpu.memory_space<semaphore_mem>>
      %dma_wait3A_421 = tpu.memref_squeeze %dma_wait3A_420 : memref<1x!tpu.dma_semaphore, #tpu.memory_space<semaphore_mem>> -> memref<!tpu.dma_semaphore, #tpu.memory_space<semaphore_mem>>
      tpu.wait_indirect_dma semaphore(%dma_wait3A_421 : memref<!tpu.dma_semaphore, #tpu.memory_space<semaphore_mem>>) src(%dma_wait3A_419 : memref<102400x8xf32, #tpu.memory_space<hbm>>) dst(%dma_wait3A_413 : memref<128x8xf32, #tpu.memory_space<vmem>>)
      %dma_start3A_422 = arith.constant 13 : i32
      %dma_start3A_423 = arith.constant 1 : i32
      %dma_start3A_424 = arith.constant 1 : i32
      %dma_start3A_425 = arith.constant 0 : i32
      %dma_start3A_426 = arith.constant 0 : i32
      %dma_start3A_427 = tpu.memref_slice %arg9[%dma_start3A_423, %dma_start3A_425, %dma_start3A_426] : memref<2x128x8xf32, #tpu.memory_space<vmem>> -> memref<1x128x8xf32, #tpu.memory_space<vmem>>
      %dma_start3A_428 = tpu.memref_squeeze %dma_start3A_427 : memref<1x128x8xf32, #tpu.memory_space<vmem>> -> memref<128x8xf32, #tpu.memory_space<vmem>>
      %dma_start3A_429 = arith.constant 0 : i32
      %dma_start3A_430 = tpu.memref_slice %arg7[%dma_start3A_422, %dma_start3A_429] : memref<16x128xi32, #tpu.memory_space<vmem>> -> memref<1x128xi32, #tpu.memory_space<vmem>>
      %dma_start3A_431 = tpu.memref_squeeze %dma_start3A_430 : memref<1x128xi32, #tpu.memory_space<vmem>> -> memref<128xi32, #tpu.memory_space<vmem>>
      %dma_start3A_432 = arith.constant 0 : i32
      %dma_start3A_433 = arith.constant 0 : i32
      %dma_start3A_434 = tpu.memref_slice %arg2[%dma_start3A_432, %dma_start3A_433] : memref<102400x8xf32, #tpu.memory_space<hbm>> -> memref<102400x8xf32, #tpu.memory_space<hbm>>
      %dma_start3A_435 = tpu.memref_slice %arg11[%dma_start3A_424] : memref<2x!tpu.dma_semaphore, #tpu.memory_space<semaphore_mem>> -> memref<1x!tpu.dma_semaphore, #tpu.memory_space<semaphore_mem>>
      %dma_start3A_436 = tpu.memref_squeeze %dma_start3A_435 : memref<1x!tpu.dma_semaphore, #tpu.memory_space<semaphore_mem>> -> memref<!tpu.dma_semaphore, #tpu.memory_space<semaphore_mem>>
      tpu.enqueue_indirect_dma source(%dma_start3A_434 : memref<102400x8xf32, #tpu.memory_space<hbm>>) target(%dma_start3A_428 : memref<128x8xf32, #tpu.memory_space<vmem>>) offsets(%dma_start3A_431 : memref<128xi32, #tpu.memory_space<vmem>>) semaphore(%dma_start3A_436 : memref<!tpu.dma_semaphore, #tpu.memory_space<semaphore_mem>>)
      %run_scoped3A_437 = arith.constant 0 : i32
      %run_scoped3A_438 = arith.constant 12 : i32
      "tpu.region"() ({
        %run_scoped3A_520 = tpu.sem_alloc : memref<!tpu.dma_semaphore, #tpu.memory_space<semaphore_mem>>
        %dma_start3A_521 = arith.constant 0 : i32
        %dma_start3A_522 = arith.constant 0 : i32
        %dma_start3A_523 = tpu.memref_slice %arg9[%run_scoped3A_437, %dma_start3A_521, %dma_start3A_522] : memref<2x128x8xf32, #tpu.memory_space<vmem>> -> memref<1x128x8xf32, #tpu.memory_space<vmem>>
        %dma_start3A_524 = tpu.memref_squeeze %dma_start3A_523 : memref<1x128x8xf32, #tpu.memory_space<vmem>> -> memref<128x8xf32, #tpu.memory_space<vmem>>
        %dma_start3A_525 = arith.constant 0 : i32
        %dma_start3A_526 = tpu.memref_slice %arg8[%run_scoped3A_438, %dma_start3A_525] : memref<16x128xi32, #tpu.memory_space<vmem>> -> memref<1x128xi32, #tpu.memory_space<vmem>>
        %dma_start3A_527 = tpu.memref_squeeze %dma_start3A_526 : memref<1x128xi32, #tpu.memory_space<vmem>> -> memref<128xi32, #tpu.memory_space<vmem>>
        %dma_start3A_528 = arith.constant 0 : i32
        %dma_start3A_529 = arith.constant 0 : i32
        %dma_start3A_530 = tpu.memref_slice %arg10[%dma_start3A_528, %dma_start3A_529] : memref<102400x8xf32, #tpu.memory_space<vmem_shared>> -> memref<102400x8xf32, #tpu.memory_space<vmem_shared>>
        tpu.enqueue_indirect_dma source(%dma_start3A_524 : memref<128x8xf32, #tpu.memory_space<vmem>>) target(%dma_start3A_530 : memref<102400x8xf32, #tpu.memory_space<vmem_shared>>) offsets(%dma_start3A_527 : memref<128xi32, #tpu.memory_space<vmem>>) semaphore(%run_scoped3A_520 : memref<!tpu.dma_semaphore, #tpu.memory_space<semaphore_mem>>) {add = true}
        %dma_wait3A_531 = arith.constant 0 : i32
        %dma_wait3A_532 = arith.constant 0 : i32
        %dma_wait3A_533 = tpu.memref_slice %arg9[%run_scoped3A_437, %dma_wait3A_531, %dma_wait3A_532] : memref<2x128x8xf32, #tpu.memory_space<vmem>> -> memref<1x128x8xf32, #tpu.memory_space<vmem>>
        %dma_wait3A_534 = tpu.memref_squeeze %dma_wait3A_533 : memref<1x128x8xf32, #tpu.memory_space<vmem>> -> memref<128x8xf32, #tpu.memory_space<vmem>>
        %dma_wait3A_535 = arith.constant 0 : i32
        %dma_wait3A_536 = tpu.memref_slice %arg8[%run_scoped3A_438, %dma_wait3A_535] : memref<16x128xi32, #tpu.memory_space<vmem>> -> memref<1x128xi32, #tpu.memory_space<vmem>>
        %dma_wait3A_537 = tpu.memref_squeeze %dma_wait3A_536 : memref<1x128xi32, #tpu.memory_space<vmem>> -> memref<128xi32, #tpu.memory_space<vmem>>
        %dma_wait3A_538 = arith.constant 0 : i32
        %dma_wait3A_539 = arith.constant 0 : i32
        %dma_wait3A_540 = tpu.memref_slice %arg10[%dma_wait3A_538, %dma_wait3A_539] : memref<102400x8xf32, #tpu.memory_space<vmem_shared>> -> memref<102400x8xf32, #tpu.memory_space<vmem_shared>>
        tpu.wait_indirect_dma semaphore(%run_scoped3A_520 : memref<!tpu.dma_semaphore, #tpu.memory_space<semaphore_mem>>) src(%dma_wait3A_534 : memref<128x8xf32, #tpu.memory_space<vmem>>) dst(%dma_wait3A_540 : memref<102400x8xf32, #tpu.memory_space<vmem_shared>>)
        tpu.yield
      }) : () -> ()
      %dma_wait3A_439 = arith.constant 13 : i32
      %dma_wait3A_440 = arith.constant 1 : i32
      %dma_wait3A_441 = arith.constant 1 : i32
      %dma_wait3A_442 = arith.constant 0 : i32
      %dma_wait3A_443 = arith.constant 0 : i32
      %dma_wait3A_444 = tpu.memref_slice %arg9[%dma_wait3A_440, %dma_wait3A_442, %dma_wait3A_443] : memref<2x128x8xf32, #tpu.memory_space<vmem>> -> memref<1x128x8xf32, #tpu.memory_space<vmem>>
      %dma_wait3A_445 = tpu.memref_squeeze %dma_wait3A_444 : memref<1x128x8xf32, #tpu.memory_space<vmem>> -> memref<128x8xf32, #tpu.memory_space<vmem>>
      %dma_wait3A_446 = arith.constant 0 : i32
      %dma_wait3A_447 = tpu.memref_slice %arg7[%dma_wait3A_439, %dma_wait3A_446] : memref<16x128xi32, #tpu.memory_space<vmem>> -> memref<1x128xi32, #tpu.memory_space<vmem>>
      %dma_wait3A_448 = tpu.memref_squeeze %dma_wait3A_447 : memref<1x128xi32, #tpu.memory_space<vmem>> -> memref<128xi32, #tpu.memory_space<vmem>>
      %dma_wait3A_449 = arith.constant 0 : i32
      %dma_wait3A_450 = arith.constant 0 : i32
      %dma_wait3A_451 = tpu.memref_slice %arg2[%dma_wait3A_449, %dma_wait3A_450] : memref<102400x8xf32, #tpu.memory_space<hbm>> -> memref<102400x8xf32, #tpu.memory_space<hbm>>
      %dma_wait3A_452 = tpu.memref_slice %arg11[%dma_wait3A_441] : memref<2x!tpu.dma_semaphore, #tpu.memory_space<semaphore_mem>> -> memref<1x!tpu.dma_semaphore, #tpu.memory_space<semaphore_mem>>
      %dma_wait3A_453 = tpu.memref_squeeze %dma_wait3A_452 : memref<1x!tpu.dma_semaphore, #tpu.memory_space<semaphore_mem>> -> memref<!tpu.dma_semaphore, #tpu.memory_space<semaphore_mem>>
      tpu.wait_indirect_dma semaphore(%dma_wait3A_453 : memref<!tpu.dma_semaphore, #tpu.memory_space<semaphore_mem>>) src(%dma_wait3A_451 : memref<102400x8xf32, #tpu.memory_space<hbm>>) dst(%dma_wait3A_445 : memref<128x8xf32, #tpu.memory_space<vmem>>)
      %dma_start3A_454 = arith.constant 14 : i32
      %dma_start3A_455 = arith.constant 0 : i32
      %dma_start3A_456 = arith.constant 0 : i32
      %dma_start3A_457 = arith.constant 0 : i32
      %dma_start3A_458 = arith.constant 0 : i32
      %dma_start3A_459 = tpu.memref_slice %arg9[%dma_start3A_455, %dma_start3A_457, %dma_start3A_458] : memref<2x128x8xf32, #tpu.memory_space<vmem>> -> memref<1x128x8xf32, #tpu.memory_space<vmem>>
      %dma_start3A_460 = tpu.memref_squeeze %dma_start3A_459 : memref<1x128x8xf32, #tpu.memory_space<vmem>> -> memref<128x8xf32, #tpu.memory_space<vmem>>
      %dma_start3A_461 = arith.constant 0 : i32
      %dma_start3A_462 = tpu.memref_slice %arg7[%dma_start3A_454, %dma_start3A_461] : memref<16x128xi32, #tpu.memory_space<vmem>> -> memref<1x128xi32, #tpu.memory_space<vmem>>
      %dma_start3A_463 = tpu.memref_squeeze %dma_start3A_462 : memref<1x128xi32, #tpu.memory_space<vmem>> -> memref<128xi32, #tpu.memory_space<vmem>>
      %dma_start3A_464 = arith.constant 0 : i32
      %dma_start3A_465 = arith.constant 0 : i32
      %dma_start3A_466 = tpu.memref_slice %arg2[%dma_start3A_464, %dma_start3A_465] : memref<102400x8xf32, #tpu.memory_space<hbm>> -> memref<102400x8xf32, #tpu.memory_space<hbm>>
      %dma_start3A_467 = tpu.memref_slice %arg11[%dma_start3A_456] : memref<2x!tpu.dma_semaphore, #tpu.memory_space<semaphore_mem>> -> memref<1x!tpu.dma_semaphore, #tpu.memory_space<semaphore_mem>>
      %dma_start3A_468 = tpu.memref_squeeze %dma_start3A_467 : memref<1x!tpu.dma_semaphore, #tpu.memory_space<semaphore_mem>> -> memref<!tpu.dma_semaphore, #tpu.memory_space<semaphore_mem>>
      tpu.enqueue_indirect_dma source(%dma_start3A_466 : memref<102400x8xf32, #tpu.memory_space<hbm>>) target(%dma_start3A_460 : memref<128x8xf32, #tpu.memory_space<vmem>>) offsets(%dma_start3A_463 : memref<128xi32, #tpu.memory_space<vmem>>) semaphore(%dma_start3A_468 : memref<!tpu.dma_semaphore, #tpu.memory_space<semaphore_mem>>)
      %run_scoped3A_469 = arith.constant 1 : i32
      %run_scoped3A_470 = arith.constant 13 : i32
      "tpu.region"() ({
        %run_scoped3A_520 = tpu.sem_alloc : memref<!tpu.dma_semaphore, #tpu.memory_space<semaphore_mem>>
        %dma_start3A_521 = arith.constant 0 : i32
        %dma_start3A_522 = arith.constant 0 : i32
        %dma_start3A_523 = tpu.memref_slice %arg9[%run_scoped3A_469, %dma_start3A_521, %dma_start3A_522] : memref<2x128x8xf32, #tpu.memory_space<vmem>> -> memref<1x128x8xf32, #tpu.memory_space<vmem>>
        %dma_start3A_524 = tpu.memref_squeeze %dma_start3A_523 : memref<1x128x8xf32, #tpu.memory_space<vmem>> -> memref<128x8xf32, #tpu.memory_space<vmem>>
        %dma_start3A_525 = arith.constant 0 : i32
        %dma_start3A_526 = tpu.memref_slice %arg8[%run_scoped3A_470, %dma_start3A_525] : memref<16x128xi32, #tpu.memory_space<vmem>> -> memref<1x128xi32, #tpu.memory_space<vmem>>
        %dma_start3A_527 = tpu.memref_squeeze %dma_start3A_526 : memref<1x128xi32, #tpu.memory_space<vmem>> -> memref<128xi32, #tpu.memory_space<vmem>>
        %dma_start3A_528 = arith.constant 0 : i32
        %dma_start3A_529 = arith.constant 0 : i32
        %dma_start3A_530 = tpu.memref_slice %arg10[%dma_start3A_528, %dma_start3A_529] : memref<102400x8xf32, #tpu.memory_space<vmem_shared>> -> memref<102400x8xf32, #tpu.memory_space<vmem_shared>>
        tpu.enqueue_indirect_dma source(%dma_start3A_524 : memref<128x8xf32, #tpu.memory_space<vmem>>) target(%dma_start3A_530 : memref<102400x8xf32, #tpu.memory_space<vmem_shared>>) offsets(%dma_start3A_527 : memref<128xi32, #tpu.memory_space<vmem>>) semaphore(%run_scoped3A_520 : memref<!tpu.dma_semaphore, #tpu.memory_space<semaphore_mem>>) {add = true}
        %dma_wait3A_531 = arith.constant 0 : i32
        %dma_wait3A_532 = arith.constant 0 : i32
        %dma_wait3A_533 = tpu.memref_slice %arg9[%run_scoped3A_469, %dma_wait3A_531, %dma_wait3A_532] : memref<2x128x8xf32, #tpu.memory_space<vmem>> -> memref<1x128x8xf32, #tpu.memory_space<vmem>>
        %dma_wait3A_534 = tpu.memref_squeeze %dma_wait3A_533 : memref<1x128x8xf32, #tpu.memory_space<vmem>> -> memref<128x8xf32, #tpu.memory_space<vmem>>
        %dma_wait3A_535 = arith.constant 0 : i32
        %dma_wait3A_536 = tpu.memref_slice %arg8[%run_scoped3A_470, %dma_wait3A_535] : memref<16x128xi32, #tpu.memory_space<vmem>> -> memref<1x128xi32, #tpu.memory_space<vmem>>
        %dma_wait3A_537 = tpu.memref_squeeze %dma_wait3A_536 : memref<1x128xi32, #tpu.memory_space<vmem>> -> memref<128xi32, #tpu.memory_space<vmem>>
        %dma_wait3A_538 = arith.constant 0 : i32
        %dma_wait3A_539 = arith.constant 0 : i32
        %dma_wait3A_540 = tpu.memref_slice %arg10[%dma_wait3A_538, %dma_wait3A_539] : memref<102400x8xf32, #tpu.memory_space<vmem_shared>> -> memref<102400x8xf32, #tpu.memory_space<vmem_shared>>
        tpu.wait_indirect_dma semaphore(%run_scoped3A_520 : memref<!tpu.dma_semaphore, #tpu.memory_space<semaphore_mem>>) src(%dma_wait3A_534 : memref<128x8xf32, #tpu.memory_space<vmem>>) dst(%dma_wait3A_540 : memref<102400x8xf32, #tpu.memory_space<vmem_shared>>)
        tpu.yield
      }) : () -> ()
      %dma_wait3A_471 = arith.constant 14 : i32
      %dma_wait3A_472 = arith.constant 0 : i32
      %dma_wait3A_473 = arith.constant 0 : i32
      %dma_wait3A_474 = arith.constant 0 : i32
      %dma_wait3A_475 = arith.constant 0 : i32
      %dma_wait3A_476 = tpu.memref_slice %arg9[%dma_wait3A_472, %dma_wait3A_474, %dma_wait3A_475] : memref<2x128x8xf32, #tpu.memory_space<vmem>> -> memref<1x128x8xf32, #tpu.memory_space<vmem>>
      %dma_wait3A_477 = tpu.memref_squeeze %dma_wait3A_476 : memref<1x128x8xf32, #tpu.memory_space<vmem>> -> memref<128x8xf32, #tpu.memory_space<vmem>>
      %dma_wait3A_478 = arith.constant 0 : i32
      %dma_wait3A_479 = tpu.memref_slice %arg7[%dma_wait3A_471, %dma_wait3A_478] : memref<16x128xi32, #tpu.memory_space<vmem>> -> memref<1x128xi32, #tpu.memory_space<vmem>>
      %dma_wait3A_480 = tpu.memref_squeeze %dma_wait3A_479 : memref<1x128xi32, #tpu.memory_space<vmem>> -> memref<128xi32, #tpu.memory_space<vmem>>
      %dma_wait3A_481 = arith.constant 0 : i32
      %dma_wait3A_482 = arith.constant 0 : i32
      %dma_wait3A_483 = tpu.memref_slice %arg2[%dma_wait3A_481, %dma_wait3A_482] : memref<102400x8xf32, #tpu.memory_space<hbm>> -> memref<102400x8xf32, #tpu.memory_space<hbm>>
      %dma_wait3A_484 = tpu.memref_slice %arg11[%dma_wait3A_473] : memref<2x!tpu.dma_semaphore, #tpu.memory_space<semaphore_mem>> -> memref<1x!tpu.dma_semaphore, #tpu.memory_space<semaphore_mem>>
      %dma_wait3A_485 = tpu.memref_squeeze %dma_wait3A_484 : memref<1x!tpu.dma_semaphore, #tpu.memory_space<semaphore_mem>> -> memref<!tpu.dma_semaphore, #tpu.memory_space<semaphore_mem>>
      tpu.wait_indirect_dma semaphore(%dma_wait3A_485 : memref<!tpu.dma_semaphore, #tpu.memory_space<semaphore_mem>>) src(%dma_wait3A_483 : memref<102400x8xf32, #tpu.memory_space<hbm>>) dst(%dma_wait3A_477 : memref<128x8xf32, #tpu.memory_space<vmem>>)
      %dma_start3A_486 = arith.constant 15 : i32
      %dma_start3A_487 = arith.constant 1 : i32
      %dma_start3A_488 = arith.constant 1 : i32
      %dma_start3A_489 = arith.constant 0 : i32
      %dma_start3A_490 = arith.constant 0 : i32
      %dma_start3A_491 = tpu.memref_slice %arg9[%dma_start3A_487, %dma_start3A_489, %dma_start3A_490] : memref<2x128x8xf32, #tpu.memory_space<vmem>> -> memref<1x128x8xf32, #tpu.memory_space<vmem>>
      %dma_start3A_492 = tpu.memref_squeeze %dma_start3A_491 : memref<1x128x8xf32, #tpu.memory_space<vmem>> -> memref<128x8xf32, #tpu.memory_space<vmem>>
      %dma_start3A_493 = arith.constant 0 : i32
      %dma_start3A_494 = tpu.memref_slice %arg7[%dma_start3A_486, %dma_start3A_493] : memref<16x128xi32, #tpu.memory_space<vmem>> -> memref<1x128xi32, #tpu.memory_space<vmem>>
      %dma_start3A_495 = tpu.memref_squeeze %dma_start3A_494 : memref<1x128xi32, #tpu.memory_space<vmem>> -> memref<128xi32, #tpu.memory_space<vmem>>
      %dma_start3A_496 = arith.constant 0 : i32
      %dma_start3A_497 = arith.constant 0 : i32
      %dma_start3A_498 = tpu.memref_slice %arg2[%dma_start3A_496, %dma_start3A_497] : memref<102400x8xf32, #tpu.memory_space<hbm>> -> memref<102400x8xf32, #tpu.memory_space<hbm>>
      %dma_start3A_499 = tpu.memref_slice %arg11[%dma_start3A_488] : memref<2x!tpu.dma_semaphore, #tpu.memory_space<semaphore_mem>> -> memref<1x!tpu.dma_semaphore, #tpu.memory_space<semaphore_mem>>
      %dma_start3A_500 = tpu.memref_squeeze %dma_start3A_499 : memref<1x!tpu.dma_semaphore, #tpu.memory_space<semaphore_mem>> -> memref<!tpu.dma_semaphore, #tpu.memory_space<semaphore_mem>>
      tpu.enqueue_indirect_dma source(%dma_start3A_498 : memref<102400x8xf32, #tpu.memory_space<hbm>>) target(%dma_start3A_492 : memref<128x8xf32, #tpu.memory_space<vmem>>) offsets(%dma_start3A_495 : memref<128xi32, #tpu.memory_space<vmem>>) semaphore(%dma_start3A_500 : memref<!tpu.dma_semaphore, #tpu.memory_space<semaphore_mem>>)
      %run_scoped3A_501 = arith.constant 0 : i32
      %run_scoped3A_502 = arith.constant 14 : i32
      "tpu.region"() ({
        %run_scoped3A_520 = tpu.sem_alloc : memref<!tpu.dma_semaphore, #tpu.memory_space<semaphore_mem>>
        %dma_start3A_521 = arith.constant 0 : i32
        %dma_start3A_522 = arith.constant 0 : i32
        %dma_start3A_523 = tpu.memref_slice %arg9[%run_scoped3A_501, %dma_start3A_521, %dma_start3A_522] : memref<2x128x8xf32, #tpu.memory_space<vmem>> -> memref<1x128x8xf32, #tpu.memory_space<vmem>>
        %dma_start3A_524 = tpu.memref_squeeze %dma_start3A_523 : memref<1x128x8xf32, #tpu.memory_space<vmem>> -> memref<128x8xf32, #tpu.memory_space<vmem>>
        %dma_start3A_525 = arith.constant 0 : i32
        %dma_start3A_526 = tpu.memref_slice %arg8[%run_scoped3A_502, %dma_start3A_525] : memref<16x128xi32, #tpu.memory_space<vmem>> -> memref<1x128xi32, #tpu.memory_space<vmem>>
        %dma_start3A_527 = tpu.memref_squeeze %dma_start3A_526 : memref<1x128xi32, #tpu.memory_space<vmem>> -> memref<128xi32, #tpu.memory_space<vmem>>
        %dma_start3A_528 = arith.constant 0 : i32
        %dma_start3A_529 = arith.constant 0 : i32
        %dma_start3A_530 = tpu.memref_slice %arg10[%dma_start3A_528, %dma_start3A_529] : memref<102400x8xf32, #tpu.memory_space<vmem_shared>> -> memref<102400x8xf32, #tpu.memory_space<vmem_shared>>
        tpu.enqueue_indirect_dma source(%dma_start3A_524 : memref<128x8xf32, #tpu.memory_space<vmem>>) target(%dma_start3A_530 : memref<102400x8xf32, #tpu.memory_space<vmem_shared>>) offsets(%dma_start3A_527 : memref<128xi32, #tpu.memory_space<vmem>>) semaphore(%run_scoped3A_520 : memref<!tpu.dma_semaphore, #tpu.memory_space<semaphore_mem>>) {add = true}
        %dma_wait3A_531 = arith.constant 0 : i32
        %dma_wait3A_532 = arith.constant 0 : i32
        %dma_wait3A_533 = tpu.memref_slice %arg9[%run_scoped3A_501, %dma_wait3A_531, %dma_wait3A_532] : memref<2x128x8xf32, #tpu.memory_space<vmem>> -> memref<1x128x8xf32, #tpu.memory_space<vmem>>
        %dma_wait3A_534 = tpu.memref_squeeze %dma_wait3A_533 : memref<1x128x8xf32, #tpu.memory_space<vmem>> -> memref<128x8xf32, #tpu.memory_space<vmem>>
        %dma_wait3A_535 = arith.constant 0 : i32
        %dma_wait3A_536 = tpu.memref_slice %arg8[%run_scoped3A_502, %dma_wait3A_535] : memref<16x128xi32, #tpu.memory_space<vmem>> -> memref<1x128xi32, #tpu.memory_space<vmem>>
        %dma_wait3A_537 = tpu.memref_squeeze %dma_wait3A_536 : memref<1x128xi32, #tpu.memory_space<vmem>> -> memref<128xi32, #tpu.memory_space<vmem>>
        %dma_wait3A_538 = arith.constant 0 : i32
        %dma_wait3A_539 = arith.constant 0 : i32
        %dma_wait3A_540 = tpu.memref_slice %arg10[%dma_wait3A_538, %dma_wait3A_539] : memref<102400x8xf32, #tpu.memory_space<vmem_shared>> -> memref<102400x8xf32, #tpu.memory_space<vmem_shared>>
        tpu.wait_indirect_dma semaphore(%run_scoped3A_520 : memref<!tpu.dma_semaphore, #tpu.memory_space<semaphore_mem>>) src(%dma_wait3A_534 : memref<128x8xf32, #tpu.memory_space<vmem>>) dst(%dma_wait3A_540 : memref<102400x8xf32, #tpu.memory_space<vmem_shared>>)
        tpu.yield
      }) : () -> ()
      %dma_wait3A_503 = arith.constant 15 : i32
      %dma_wait3A_504 = arith.constant 1 : i32
      %dma_wait3A_505 = arith.constant 1 : i32
      %dma_wait3A_506 = arith.constant 0 : i32
      %dma_wait3A_507 = arith.constant 0 : i32
      %dma_wait3A_508 = tpu.memref_slice %arg9[%dma_wait3A_504, %dma_wait3A_506, %dma_wait3A_507] : memref<2x128x8xf32, #tpu.memory_space<vmem>> -> memref<1x128x8xf32, #tpu.memory_space<vmem>>
      %dma_wait3A_509 = tpu.memref_squeeze %dma_wait3A_508 : memref<1x128x8xf32, #tpu.memory_space<vmem>> -> memref<128x8xf32, #tpu.memory_space<vmem>>
      %dma_wait3A_510 = arith.constant 0 : i32
      %dma_wait3A_511 = tpu.memref_slice %arg7[%dma_wait3A_503, %dma_wait3A_510] : memref<16x128xi32, #tpu.memory_space<vmem>> -> memref<1x128xi32, #tpu.memory_space<vmem>>
      %dma_wait3A_512 = tpu.memref_squeeze %dma_wait3A_511 : memref<1x128xi32, #tpu.memory_space<vmem>> -> memref<128xi32, #tpu.memory_space<vmem>>
      %dma_wait3A_513 = arith.constant 0 : i32
      %dma_wait3A_514 = arith.constant 0 : i32
      %dma_wait3A_515 = tpu.memref_slice %arg2[%dma_wait3A_513, %dma_wait3A_514] : memref<102400x8xf32, #tpu.memory_space<hbm>> -> memref<102400x8xf32, #tpu.memory_space<hbm>>
      %dma_wait3A_516 = tpu.memref_slice %arg11[%dma_wait3A_505] : memref<2x!tpu.dma_semaphore, #tpu.memory_space<semaphore_mem>> -> memref<1x!tpu.dma_semaphore, #tpu.memory_space<semaphore_mem>>
      %dma_wait3A_517 = tpu.memref_squeeze %dma_wait3A_516 : memref<1x!tpu.dma_semaphore, #tpu.memory_space<semaphore_mem>> -> memref<!tpu.dma_semaphore, #tpu.memory_space<semaphore_mem>>
      tpu.wait_indirect_dma semaphore(%dma_wait3A_517 : memref<!tpu.dma_semaphore, #tpu.memory_space<semaphore_mem>>) src(%dma_wait3A_515 : memref<102400x8xf32, #tpu.memory_space<hbm>>) dst(%dma_wait3A_509 : memref<128x8xf32, #tpu.memory_space<vmem>>)
      %run_scoped3A_518 = arith.constant 1 : i32
      %run_scoped3A_519 = arith.constant 15 : i32
      "tpu.region"() ({
        %run_scoped3A_520 = tpu.sem_alloc : memref<!tpu.dma_semaphore, #tpu.memory_space<semaphore_mem>>
        %dma_start3A_521 = arith.constant 0 : i32
        %dma_start3A_522 = arith.constant 0 : i32
        %dma_start3A_523 = tpu.memref_slice %arg9[%run_scoped3A_518, %dma_start3A_521, %dma_start3A_522] : memref<2x128x8xf32, #tpu.memory_space<vmem>> -> memref<1x128x8xf32, #tpu.memory_space<vmem>>
        %dma_start3A_524 = tpu.memref_squeeze %dma_start3A_523 : memref<1x128x8xf32, #tpu.memory_space<vmem>> -> memref<128x8xf32, #tpu.memory_space<vmem>>
        %dma_start3A_525 = arith.constant 0 : i32
        %dma_start3A_526 = tpu.memref_slice %arg8[%run_scoped3A_519, %dma_start3A_525] : memref<16x128xi32, #tpu.memory_space<vmem>> -> memref<1x128xi32, #tpu.memory_space<vmem>>
        %dma_start3A_527 = tpu.memref_squeeze %dma_start3A_526 : memref<1x128xi32, #tpu.memory_space<vmem>> -> memref<128xi32, #tpu.memory_space<vmem>>
        %dma_start3A_528 = arith.constant 0 : i32
        %dma_start3A_529 = arith.constant 0 : i32
        %dma_start3A_530 = tpu.memref_slice %arg10[%dma_start3A_528, %dma_start3A_529] : memref<102400x8xf32, #tpu.memory_space<vmem_shared>> -> memref<102400x8xf32, #tpu.memory_space<vmem_shared>>
        tpu.enqueue_indirect_dma source(%dma_start3A_524 : memref<128x8xf32, #tpu.memory_space<vmem>>) target(%dma_start3A_530 : memref<102400x8xf32, #tpu.memory_space<vmem_shared>>) offsets(%dma_start3A_527 : memref<128xi32, #tpu.memory_space<vmem>>) semaphore(%run_scoped3A_520 : memref<!tpu.dma_semaphore, #tpu.memory_space<semaphore_mem>>) {add = true}
        %dma_wait3A_531 = arith.constant 0 : i32
        %dma_wait3A_532 = arith.constant 0 : i32
        %dma_wait3A_533 = tpu.memref_slice %arg9[%run_scoped3A_518, %dma_wait3A_531, %dma_wait3A_532] : memref<2x128x8xf32, #tpu.memory_space<vmem>> -> memref<1x128x8xf32, #tpu.memory_space<vmem>>
        %dma_wait3A_534 = tpu.memref_squeeze %dma_wait3A_533 : memref<1x128x8xf32, #tpu.memory_space<vmem>> -> memref<128x8xf32, #tpu.memory_space<vmem>>
        %dma_wait3A_535 = arith.constant 0 : i32
        %dma_wait3A_536 = tpu.memref_slice %arg8[%run_scoped3A_519, %dma_wait3A_535] : memref<16x128xi32, #tpu.memory_space<vmem>> -> memref<1x128xi32, #tpu.memory_space<vmem>>
        %dma_wait3A_537 = tpu.memref_squeeze %dma_wait3A_536 : memref<1x128xi32, #tpu.memory_space<vmem>> -> memref<128xi32, #tpu.memory_space<vmem>>
        %dma_wait3A_538 = arith.constant 0 : i32
        %dma_wait3A_539 = arith.constant 0 : i32
        %dma_wait3A_540 = tpu.memref_slice %arg10[%dma_wait3A_538, %dma_wait3A_539] : memref<102400x8xf32, #tpu.memory_space<vmem_shared>> -> memref<102400x8xf32, #tpu.memory_space<vmem_shared>>
        tpu.wait_indirect_dma semaphore(%run_scoped3A_520 : memref<!tpu.dma_semaphore, #tpu.memory_space<semaphore_mem>>) src(%dma_wait3A_534 : memref<128x8xf32, #tpu.memory_space<vmem>>) dst(%dma_wait3A_540 : memref<102400x8xf32, #tpu.memory_space<vmem_shared>>)
        tpu.yield
      }) : () -> ()
    }
    %scan3A_4 = arith.constant 25 : i32
    %barrier3A_5 = arith.constant 0 : index
    tpu.barrier barrier_id(%barrier3A_5)
    %mul3A_6 = arith.constant 6400 : i32
    %mul3A_7 = arith.muli %arg1, %mul3A_6 : i32
    %mul3A_8 = arith.constant 6400 : i32
    %mul3A_9 = arith.muli %arg1, %mul3A_8 : i32
    "tpu.region"() ({
      %run_scoped3A = tpu.sem_alloc : memref<!tpu.dma_semaphore, #tpu.memory_space<semaphore_mem>>
      %dma_start3A = arith.constant 0 : i32
      %dma_start3A_10 = arith.constant 0 : i32
      %dma_start3A_11 = tpu.memref_slice %arg6[%arg0, %dma_start3A, %dma_start3A_10] : memref<2x102400x8xf32, #tpu.memory_space<hbm>> -> memref<1x102400x8xf32, #tpu.memory_space<hbm>>
      %dma_start3A_12 = tpu.memref_squeeze %dma_start3A_11 : memref<1x102400x8xf32, #tpu.memory_space<hbm>> -> memref<102400x8xf32, #tpu.memory_space<hbm>>
      %dma_start3A_13 = arith.constant 0 : i32
      %dma_start3A_14 = tpu.memref_slice %dma_start3A_12[%mul3A_9, %dma_start3A_13] : memref<102400x8xf32, #tpu.memory_space<hbm>> -> memref<6400x8xf32, #tpu.memory_space<hbm>>
      %dma_start3A_15 = arith.constant 0 : i32
      %dma_start3A_16 = tpu.memref_slice %arg10[%mul3A_7, %dma_start3A_15] : memref<102400x8xf32, #tpu.memory_space<vmem_shared>> -> memref<6400x8xf32, #tpu.memory_space<vmem_shared>>
      tpu.enqueue_dma source(%dma_start3A_16 : memref<6400x8xf32, #tpu.memory_space<vmem_shared>>) target(%dma_start3A_14 : memref<6400x8xf32, #tpu.memory_space<hbm>>) target_semaphore(%run_scoped3A : memref<!tpu.dma_semaphore, #tpu.memory_space<semaphore_mem>>)
      %dma_wait3A = arith.constant 0 : i32
      %dma_wait3A_17 = arith.constant 0 : i32
      %dma_wait3A_18 = tpu.memref_slice %arg6[%arg0, %dma_wait3A, %dma_wait3A_17] : memref<2x102400x8xf32, #tpu.memory_space<hbm>> -> memref<1x102400x8xf32, #tpu.memory_space<hbm>>
      %dma_wait3A_19 = tpu.memref_squeeze %dma_wait3A_18 : memref<1x102400x8xf32, #tpu.memory_space<hbm>> -> memref<102400x8xf32, #tpu.memory_space<hbm>>
      %dma_wait3A_20 = arith.constant 0 : i32
      %dma_wait3A_21 = tpu.memref_slice %dma_wait3A_19[%mul3A_9, %dma_wait3A_20] : memref<102400x8xf32, #tpu.memory_space<hbm>> -> memref<6400x8xf32, #tpu.memory_space<hbm>>
      %dma_wait3A_22 = arith.constant 0 : i32
      %dma_wait3A_23 = tpu.memref_slice %arg10[%mul3A_7, %dma_wait3A_22] : memref<102400x8xf32, #tpu.memory_space<vmem_shared>> -> memref<6400x8xf32, #tpu.memory_space<vmem_shared>>
      tpu.wait_dma2 semaphore(%run_scoped3A : memref<!tpu.dma_semaphore, #tpu.memory_space<semaphore_mem>>) src(%dma_wait3A_23 : memref<6400x8xf32, #tpu.memory_space<vmem_shared>>) dst(%dma_wait3A_21 : memref<6400x8xf32, #tpu.memory_space<hbm>>)
      tpu.yield
    }) : () -> ()
    return
  }
}

</mosaic_0001>

<sc_bundles>
// kernel: _lidar_sc.3.cloned.1.call-start
scs
__scs_entry_jumppad:
0x0: {  	(pc) =	sbr.rel $0x88, $3  }
0x1: {  	(tag) =	ssettag $0x0;
	lr =	simm.s32 $0x1  }
0x2: {  	[smem:$0x3F9D] =	sst lr;
	_ =	strace $0xD0000000  }
0x3: {  	_ = 	snop  }
0x4: {  	_ = 	snop  }
0x5: {  	_ = 	snop  }
0x6: {  	_ = 	snop  }
0x7: {  	_ = 	snop  }
__scs_overlays_trampoline_lowered:
0x8: {  	[smem:$0x3FAC] =	sst s0  }
0x9: {  	[smem:$0x3FAD] =	sst s1  }
0xa: {  	[smem:$0x3FAE] =	sst s2  }
0xb: {  	[smem:$0x3FAF] =	sst s3  }
0xc: {  	[smem:$0x3FB0] =	sst s4  }
0xd: {  	[smem:$0x3FB1] =	sst s5  }
0xe: {  	[smem:$0x3FB2] =	sst s6  }
0xf: {  	[smem:$0x3FB3] =	sst s7  }
0x10: {  	[smem:$0x3FB4] =	sst s8  }
0x11: {  	[smem:$0x3FB5] =	sst s9;
	s0 =	simm.s32 @!p0 $0x0  }
0x12: {  	s1 =	sld [smem:$0x3F9B];
	s0 =	simm.s32 @p0 $0x1  }
0x13: {  	[smem:$0x3FB6] =	sst s0;
	s0 =	simm.s32 @!p1 $0x0  }
0x14: {  	s2 =	sld [smem:$0x3F9A];
	s0 =	simm.s32 @p1 $0x1  }
0x15: {  	[smem:$0x3FB7] =	sst s0;
	s0 =	simm.s32 @!p2 $0x0  }
0x16: {  	s3 =	sld [smem:$0x3FDB];
	s0 =	simm.s32 @p2 $0x1  }
0x17: {  	s4 =	simm.s32 $0x1BF5;
	[smem:$0x3FB9] =	sst s0  }
0x18: {  	s0 =	sld [smem:$0x3F9C];
	_ =	swait.ge [sflag:s4], $0x0  }
0x19: {  	s7 =	sld [smem:$0x3F9D]  }
0x1a: {  	s8 =	sadd.s32 $0xFFFFE003, lr  }
0x1b: {  	s9 =	sadd.s32 $0xFFFFFEF7, lr;
	s5 =	simm.s32 $0xFFFFFFFF;
	p2 =	slt.u32 s8, $0xFFFFF086  }
0x1c: {  	p1 =	slt.u32 s9, $0xF7A;
	s5 =	simm.s32 @!p2 $0x0  }
0x1d: {  	s5 =	simm.s32 @p1 $0x1;
	p0 =	seq.s32 s7, s2  }
0x1e: {  	s7 =	smul.u32 @!p0 $0xF7A, s2;
	p2 =	seq.s32 @!p0 s5, $0x0  }
0x1f: {  	s9 =	smul.u32 $0xF7A, s1;
	s8 =	simm.s32 @!p0 $0x1BF5;
	p2 =	por !p2, p0  }
0x20: {  	[sflag:s8] =	ssyncset.s32 @!p0 $0xFFFFF086;
	s6 =	sadd.s32 @!p0 s3, s7;
	s7 =	simm.s32 @!p0 $0x108  }
0x21: {  	s3 =	sadd.s32 s3, s9;
	s6 =	sadd.s32 @!p0 $0x88, s6;
	s7 =	simm.s32 @p2 $0x1082  }
0x22: {  	[simem:s7], [sflag:s8] =	dma.local @!p0 [hbm:s6], $0xF7A  }
0x23: {  	s9 =	sor.u32 $0xD0000000, s2;
	s6 =	simm.s32 $0x108;
	_ =	swait.ge @!p0 [sflag:s8], $0x0  }
0x24: {  	s3 =	sadd.s32 $0x88, s3;
	s6 =	simm.s32 @!p1 $0x1082;
	[sflag:s4] =	ssyncset.s32 $0xFFFFF086  }
0x25: {  	[simem:s6], [sflag:s4] =	dma.local [hbm:s3], $0xF7A  }
0x26: {  	[smem:$0x3F9D] =	sst s1;
	(tag) =	ssettag s2;
	_ =	strace s9  }
0x27: {  	s1 =	sld [smem:$0x3FAD]  }
0x28: {  	s2 =	sld [smem:$0x3FAE]  }
0x29: {  	s4 =	sld [smem:$0x3FB0]  }
0x2a: {  	p0 =	seq.s32 s5, $0x0;
	s5 =	sld [smem:$0x3FB1]  }
0x2b: {  	s6 =	sld [smem:$0x3FB2]  }
0x2c: {  	s7 =	sld [smem:$0x3FB3]  }
0x2d: {  	s3 =	simm.s32 $0x108;
	s8 =	sld [smem:$0x3FB4]  }
0x2e: {  	s3 =	simm.s32 @!p0 $0x1082;
	s9 =	sld [smem:$0x3FB5]  }
0x2f: {  	lr =	sadd.s32 s0, s3;
	s0 =	sld [smem:$0x3FAC]  }
0x30: {  	s3 =	sld [smem:$0x3FAF]  }
0x31: {  	[smem:$0x3FB8] =	sst s10  }
0x32: {  	s10 =	sld [smem:$0x3FB6];
	_ =	sdelay $0x3  }
0x33: {  	p0 =	seq.s32 s10, $0x1;
	s10 =	sld [smem:$0x3FB8];
	_ =	sdelay $0x3  }
0x34: {  	[smem:$0x3FB8] =	sst s10  }
0x35: {  	s10 =	sld [smem:$0x3FB7];
	_ =	sdelay $0x3  }
0x36: {  	p1 =	seq.s32 s10, $0x1;
	s10 =	sld [smem:$0x3FB8];
	_ =	sdelay $0x3  }
0x37: {  	[smem:$0x3FB8] =	sst s10  }
0x38: {  	s10 =	sld [smem:$0x3FB9]  }
0x39: {  	_ = 	snop;
	(pc) =	sbr.ind lr, $3  }
0x3a: {  	_ = 	snop  }
0x3b: {  	_ = 	snop  }
0x3c: {  	p2 =	seq.s32 s10, $0x1;
	s10 =	sld [smem:$0x3FB8]  }
0x3d: {  	_ =	shalt  }
0x3e: {  	_ =	shalt  }
0x3f: {  	_ =	shalt  }
0x40: {  	_ =	shalt  }
0x41: {  	_ =	shalt  }
0x42: {  	_ =	shalt  }
0x43: {  	_ =	shalt  }
0x44: {  	_ =	shalt  }
0x45: {  	_ =	shalt  }
0x46: {  	_ =	shalt  }
0x47: {  	_ =	shalt  }
0x48: {  	_ =	shalt  }
0x49: {  	_ =	shalt  }
0x4a: {  	_ =	shalt  }
0x4b: {  	_ =	shalt  }
0x4c: {  	_ =	shalt  }
0x4d: {  	_ =	shalt  }
0x4e: {  	_ =	shalt  }
0x4f: {  	_ =	shalt  }
0x50: {  	_ =	shalt  }
0x51: {  	_ =	shalt  }
0x52: {  	_ =	shalt  }
0x53: {  	_ =	shalt  }
0x54: {  	_ =	shalt  }
0x55: {  	_ =	shalt  }
0x56: {  	_ =	shalt  }
0x57: {  	_ =	shalt  }
0x58: {  	_ =	shalt  }
0x59: {  	_ =	shalt  }
0x5a: {  	_ =	shalt  }
0x5b: {  	_ =	shalt  }
0x5c: {  	_ =	shalt  }
0x5d: {  	_ =	shalt  }
0x5e: {  	_ =	shalt  }
0x5f: {  	_ =	shalt  }
0x60: {  	_ =	shalt  }
0x61: {  	_ =	shalt  }
0x62: {  	_ =	shalt  }
0x63: {  	_ =	shalt  }
0x64: {  	_ =	shalt  }
0x65: {  	_ =	shalt  }
0x66: {  	_ =	shalt  }
0x67: {  	_ =	shalt  }
0x68: {  	_ =	shalt  }
0x69: {  	_ =	shalt  }
0x6a: {  	_ =	shalt  }
0x6b: {  	_ =	shalt  }
0x6c: {  	_ =	shalt  }
0x6d: {  	_ =	shalt  }
0x6e: {  	_ =	shalt  }
0x6f: {  	_ =	shalt  }
0x70: {  	_ =	shalt  }
0x71: {  	_ =	shalt  }
0x72: {  	_ =	shalt  }
0x73: {  	_ =	shalt  }
0x74: {  	_ =	shalt  }
0x75: {  	_ =	shalt  }
0x76: {  	_ =	shalt  }
0x77: {  	_ =	shalt  }
0x78: {  	_ =	shalt  }
0x79: {  	_ =	shalt  }
0x7a: {  	_ =	shalt  }
0x7b: {  	_ =	shalt  }
0x7c: {  	_ =	shalt  }
0x7d: {  	_ =	shalt  }
0x7e: {  	_ =	shalt  }
0x7f: {  	_ =	shalt  }
0x80: {  	_ =	shalt  }
0x81: {  	_ =	shalt  }
0x82: {  	_ =	shalt  }
0x83: {  	_ =	shalt  }
0x84: {  	_ =	shalt  }
0x85: {  	_ =	shalt  }
0x86: {  	_ =	shalt  }
0x87: {  	_ =	shalt  }
.Lfunc_end0:
.L_simem_size_0:
called_computation_lowered:
.L_overlay_start_0:
0x88: {  	s2 =	sld [smem:$0x3FD9]  }
0x89: {  	s3 =	sld [smem:$0x3FFE];
	_ =	sdelay $0x1  }
0x8a: {  	s1 =	srdreg.scid  }
0x8b: {  	s0 =	sand.u32 $0x1, s1  }
0x8c: {  	s17 =	sshll.u32 s0, $0xA;
	s2 =	sadd.s32 s3, s2  }
0x8d: {  	s2 =	sadd.s32 s2, s17  }
0x8e: {  	[smem:$0x3FC4] =	sst s2  }
0x8f: {  	_ = 	snop  }
0x90: {  	s2 =	sld [smem:$0x3FC8]  }
0x91: {  	s18 =	sld [smem:$0x3FC7]  }
0x92: {  	s4 =	sld [smem:$0x3FD0];
	(tm) =	ssettm $0x1  }
0x93: {  	s5 =	sld [smem:$0x3FFB];
	_ =	sdelay $0x3  }
0x94: {  	_ =	strace s5  }
0x95: {  	s5 =	sld [smem:$0x3FFC];
	_ =	sdelay $0x3  }
0x96: {  	_ =	strace s5  }
0x97: {  	s5 =	sld [smem:$0x3FFD];
	_ =	sdelay $0x3  }
0x98: {  	_ =	strace s5  }
0x99: {  	_ =	strace $0x8FFFFFFF  }
0x9a: {  	s19 =	sld [smem:$0x3FDB];
	_ =	sdelay $0x1  }
0x9b: {  	s6 =	simm.s32 $_scs_section_size  }
0x9c: {  	s7 =	simm.s32 $_size__tile_overlayer_lowered;
	s8 =	simm.s32 $_tile_overlayer_lowered  }
0x9d: {  	s22 =	simm.s32 $0x1BFF;
	s21 =	sshll.u32 s8, $0x1;
	s5 =	sadd.s32 s6, s19  }
0x9e: {  	s9 =	simm.s32 $0x0;
	s20 =	sshll.u32 s7, $0x1;
	s7 =	sadd.s32 s21, s5  }
0x9f: {  	[timem:s9], [sflag:s22] =	dma.local [hbm:s7], s20  }
0xa0: {  	_ =	swait.ge [sflag:s22], s20  }
0xa1: {  	s6 =	ssub.s32 $0x0, s20;
	[sflag:s22] =	ssyncset.done $0x0  }
0xa2: {  	[sflag:s22] =	ssyncadd.s32 s6;
	_ =	sdelay $0x1  }
0xa3: {  	s23 =	simm.s32 $0x1B8B  }
0xa4: {  	_ =	swait.ge [sflag:s23], $0x1  }
0xa5: {  	[sflag:s23] =	ssyncset.done $0x0  }
0xa6: {  	s25 =	simm.s32 $0x1B8E;
	s24 =	sld [smem:$0x3FFE];
	[sflag:s23] =	ssyncadd.s32 $0xFFFFFFFF  }
0xa7: {  	s26 =	simm.s32 $execute0_lowered;
	[smem:$0x3FD2] =	sst s25  }
0xa8: {  	s7 =	sshll.u32 s26, $0x1;
	_ =	strace $0x80000046;
	[dreg:$0x1] =	wrdreg $0xFFFFFFFF  }
0xa9: {  	s28 =	simm.s32 $_size_execute0_lowered;
	s5 =	sadd.s32 s5, s7;
	[dreg:$0x0] =	wrdreg $0x0  }
0xaa: {  	s7 =	sshll.u32 s28, $0x1;
	[dreg:$0x2] =	wrdreg s5  }
0xab: {  	[dreg:$0x3] =	wrdreg s7  }
0xac: {  	[dreg:$0x4] =	wrdreg $0xC0  }
0xad: {  	_ =	task [dreg:s9], $0x5FFFF  }
0xae: {  	[dreg:$0x1] =	wrdreg $0xFFFFFFFF  }
0xaf: {  	[dreg:$0x0] =	wrdreg $0x60  }
0xb0: {  	[dreg:$0x2] =	wrdreg s24  }
0xb1: {  	[dreg:$0x3] =	wrdreg s2  }
0xb2: {  	[dreg:$0x4] =	wrdreg s18  }
0xb3: {  	[dreg:$0x5] =	wrdreg s4  }
0xb4: {  	[dreg:$0x6] =	wrdreg $0x18000  }
0xb5: {  	[dreg:$0x7] =	wrdreg $0x9  }
0xb6: {  	_ =	task.clear_ibuf [dreg:s9], $0x8FFFF;
	_ =	strace $0x90000046  }
0xb7: {  	s29 =	simm.s32 $0x9;
	_ =	strace $0x80000048  }
0xb8: {  	_ =	swait.ge [sflag:s29], $0x1  }
0xb9: {  	[sflag:s29] =	ssyncadd.s32 $0xFFFFFFFF  }
0xba: {  	_ =	strace $0x90000048  }
0xbb: {  	_ =	sfence  }
0xbc: {  	s30 =	sld [smem:$0x0];
	_ =	sdelay $0x2  }
0xbd: {  	s31 =	sshll.u32 s1, $0xD;
	s1 =	sshrl.u32 s1, $0x2  }
0xbe: {  	s3 =	sand.u32 $0x4000, s31;
	s1 =	sadd.s32 s1, s30  }
0xbf: {  	s0 =	sor.u32 s3, s0;
	s1 =	sshll.u32 s1, $0x11  }
0xc0: {  	s0 =	sor.u32 s1, s0  }
0xc1: {  	s0 =	sadd.s32 $0x8F2B, s0  }
0xc2: {  	[sflag:s0] =	ssyncadd.remote.s32 $0x1  }
0xc3: {  	_ =	sfence.sel $0xFFFF  }
0xc4: {  	[dreg:$0x0] =	wrdreg $0xFFFFFFFF;
	(pc) =	sbr.abs _section_cstart, $3  }
0xc5: {  	[dreg:$0x1] =	wrdreg $0xFFFFFFFF  }
0xc6: {  	_ =	task.clear_ibuf [dreg:s9], $0x2FFFF;
	_ =	strace $0x9FFFFFFF  }
0xc7: {  	(tm) =	ssettm $0x7FFFFFFF  }
tec
execute0_lowered:
.L_overlay_start_1:
0x0: {  	(tag) =	ssettag $0x1  }
0x1: {  	s0 =	rddreg [dreg:$0x0]  }
0x2: {  	s1 =	rddreg [dreg:$0x1]  }
0x3: {  	s5 =	rddreg [dreg:$0x2]  }
0x4: {  	s6 =	rddreg [dreg:$0x3]  }
0x5: {  	s2 =	rddreg [dreg:$0x4];
	s4 =	srdreg.scid  }
0x6: {  	s11 =	stileid.u32;
	s3 =	simm.s32 $0x0;
	s23 =	simm.s32 $0x100  }
0x7: {  	s24 =	simm.s32 $0x880;
	s25 =	simm.s32 $0x180;
	s17 =	simm.s32 $0x900  }
0x8: {  	s18 =	simm.s32 $0x200;
	s19 =	simm.s32 $0x980;
	s12 =	simm.s32 $0x1000  }
0x9: {  	s13 =	simm.s32 $0x1;
	s14 =	simm.s32 $0x1400;
	s7 =	sand.u32 $0x1, s4  }
0xa: {  	[smem:$0x7FF] =	sst s3;
	s4 =	sadd.s32 $0x192000, s0;
	s0 =	sadd.s32 $0x600, s0  }
0xb: {  	s15 =	simm.s32 $0x2;
	_ =	strace $0x80000047;
	[dreg:$0x14] =	wrdreg s0  }
0xc: {  	s16 =	simm.s32 $0x400;
	s28 =	simm.s32 $0x680;
	[dreg:$0x8] =	wrdreg s23  }
0xd: {  	s29 =	simm.s32 $0xE00;
	s30 =	simm.s32 $0x700;
	[dreg:$0x9] =	wrdreg s24  }
0xe: {  	s31 =	simm.s32 $0xE80;
	s8 =	smul.u32 $0xC800, s11;
	[dreg:$0xa] =	wrdreg s25  }
0xf: {  	s11 =	sshll.u32 s11, $0x6;
	s9 =	smul.u32 $0xC8000, s7;
	[dreg:$0xb] =	wrdreg s17  }
0x10: {  	s10 =	ssub.s32 $0x2, s7;
	s22 =	smul.u32 $0x19000, s7;
	[dreg:$0xc] =	wrdreg s18  }
0x11: {  	s7 =	sor.u32 $0x1C03, s11;
	[dreg:$0xd] =	wrdreg s19;
	s11 =	simm.s32 $0x80  }
0x12: {  	s23 =	simm.s32 $0xA80;
	s24 =	simm.s32 $0x380;
	s25 =	simm.s32 $0xB00  }
0x13: {  	s17 =	simm.s32 $0xB80;
	s18 =	simm.s32 $0x480;
	[dreg:$0x11] =	wrdreg s23  }
0x14: {  	s19 =	simm.s32 $0xC00;
	s20 =	sshrl.u32 s10, $0x1;
	[dreg:$0x12] =	wrdreg s24  }
0x15: {  	s21 =	sadd.s32 s8, s2;
	s26 =	sshrl.u32 s8, $0x3;
	[dreg:$0x13] =	wrdreg s25  }
0x16: {  	s23 =	simm.s32 $0xD00;
	s25 =	simm.s32 $0x600;
	[dreg:$0x15] =	wrdreg s7  }
0x17: {  	s9 =	sadd.s32 s8, s9;
	s0 =	ssub.s32 s10, s20;
	s20 =	simm.s32 $0x280  }
0x18: {  	s8 =	sshrl.u32 s21, $0x3;
	s21 =	simm.s32 $0xA00;
	[dreg:$0xe] =	wrdreg s20  }
0x19: {  	s24 =	simm.s32 $0x0;
	s10 =	simm.s32 $0x800;
	[dreg:$0xf] =	wrdreg s21  }
0x1a: {  	s9 =	sshrl.u32 s9, $0x3;
	s0 =	smax.u32 s0, $0x1;
	[dreg:$0x17] =	wrdreg s8  }
0x1b: {  	s20 =	simm.s32 $0x500;
	s5 =	sadd.s32 s9, s5;
	[dreg:$0x16] =	wrdreg s0  }
0x1c: {  	s21 =	simm.s32 $0xC80;
	s1 =	sadd.s32 s9, s1;
	[dreg:$0x6] =	wrdreg s5  }
0x1d: {  	s9 =	simm.s32 $0x3;
	s0 =	simm.s32 $0x780;
	[dreg:$0x7] =	wrdreg s1  }
0x1e: {  	s5 =	sadd.s32 s6, s22;
	s22 =	simm.s32 $0x300;
	s1 =	simm.s32 $0xF00  }
0x1f: {  	[dreg:$0x10] =	wrdreg s22;
	s22 =	simm.s32 $0x580;
	s26 =	sadd.s32 s26, s5  }
0x20: {  	s5 =	simm.s32 $0xF80;
	[dreg:$0x18] =	wrdreg s26;
	s26 =	simm.s32 $0xD80  }
.LBB2_1:
0x21: {  	[dreg:$0x19] =	wrdreg s24  }
0x22: {  	s6 =	rddreg [dreg:$0x14]  }
0x23: {  	[spmem:s8], [sflag:s7] =	dma.local [hbm:s6], $0x1900  }
0x24: {  	_ =	swait.ge [sflag:s9], $0x1900  }
0x25: {  	[sflag:s9] =	ssyncset.done $0x0  }
0x26: {  	[sflag:s9] =	ssyncadd.s32 $0xFFFFE700  }
0x27: {  	[bflag:$0x0] =	sbarrier.arrive $0xFFFF  }
0x28: {  	s7 =	rddreg [dreg:$0x7]  }
0x29: {  	s6 =	sadd.s32 $0x0, s7  }
0x2a: {  	[tilespmem:s3], [sflag:$0x3] =	stream.linear.gather [hbm4b:s6+s3], $0x800, $0x38;
	[tilespmem:$0xE000] =	vst v63  }
0x2b: {  	_ =	swait.ge [sflag:s9], $0x800  }
0x2c: {  	s8 =	rddreg [dreg:$0x6];
	[sflag:s9] =	ssyncset.done $0x0  }
0x2d: {  	[sflag:s9] =	ssyncadd.s32 $0xFFFFF800;
	s6 =	sadd.s32 $0x0, s8  }
0x2e: {  	[tilespmem:s10], [sflag:$0x3] =	stream.linear.gather [hbm4b:s6+s3], $0x800, $0x38;
	[tilespmem:$0xE000] =	vst v63  }
0x2f: {  	_ =	swait.ge [sflag:s9], $0x800  }
0x30: {  	[sflag:s9] =	ssyncset.done $0x0  }
0x31: {  	[sflag:s9] =	ssyncadd.s32 $0xFFFFF800  }
0x32: {  	[tilespmem:s12], [sflag:$0x1] =	stream.indirect.gather [hbm4b:s4+s11], $0x8, s3, s11, $0xb8;
	[tilespmem:$0xE000] =	vst v63  }
0x33: {  	_ =	swait.ge [sflag:s13], $0x400  }
0x34: {  	[sflag:s13] =	ssyncset.done $0x0  }
0x35: {  	[sflag:s13] =	ssyncadd.s32 $0xFFFFFC00  }
0x36: {  	[tilespmem:s14], [sflag:$0x2] =	stream.indirect.gather [hbm4b:s4+s11], $0x8, s11, s11, $0xb8;
	[tilespmem:$0xE000] =	vst v63  }
0x37: {  	_ = 	snop  }
0x38: {  	[spmem:s2] =	stream.indirect.scatter.add.f32 [tilespmem:s12], [sflag:$0x3], $0x8, s10, s11, $0xb8;
	[tilespmem:$0xE000] =	vst v63  }
0x39: {  	_ =	swait.ge [sflag:s9], $0x400  }
0x3a: {  	[sflag:s9] =	ssyncset.done $0x0  }
0x3b: {  	[sflag:s9] =	ssyncadd.s32 $0xFFFFFC00  }
0x3c: {  	_ =	swait.ge [sflag:s15], $0x400  }
0x3d: {  	[sflag:s15] =	ssyncset.done $0x0  }
0x3e: {  	s24 =	rddreg [dreg:$0x8];
	[sflag:s15] =	ssyncadd.s32 $0xFFFFFC00  }
0x3f: {  	[tilespmem:s12], [sflag:$0x1] =	stream.indirect.gather [hbm4b:s4+s11], $0x8, s24, s11, $0xb8;
	[tilespmem:$0xE000] =	vst v63  }
0x40: {  	s7 =	rddreg [dreg:$0x9]  }
0x41: {  	[spmem:s2] =	stream.indirect.scatter.add.f32 [tilespmem:s14], [sflag:$0x3], $0x8, s7, s11, $0xb8;
	[tilespmem:$0xE000] =	vst v63  }
0x42: {  	_ =	swait.ge [sflag:s9], $0x400  }
0x43: {  	[sflag:s9] =	ssyncset.done $0x0  }
0x44: {  	[sflag:s9] =	ssyncadd.s32 $0xFFFFFC00  }
0x45: {  	_ =	swait.ge [sflag:s13], $0x400  }
0x46: {  	[sflag:s13] =	ssyncset.done $0x0  }
0x47: {  	s24 =	rddreg [dreg:$0xa];
	[sflag:s13] =	ssyncadd.s32 $0xFFFFFC00  }
0x48: {  	[tilespmem:s14], [sflag:$0x2] =	stream.indirect.gather [hbm4b:s4+s11], $0x8, s24, s11, $0xb8;
	[tilespmem:$0xE000] =	vst v63  }
0x49: {  	s7 =	rddreg [dreg:$0xb]  }
0x4a: {  	[spmem:s2] =	stream.indirect.scatter.add.f32 [tilespmem:s12], [sflag:$0x3], $0x8, s7, s11, $0xb8;
	[tilespmem:$0xE000] =	vst v63  }
0x4b: {  	_ =	swait.ge [sflag:s9], $0x400  }
0x4c: {  	[sflag:s9] =	ssyncset.done $0x0  }
0x4d: {  	[sflag:s9] =	ssyncadd.s32 $0xFFFFFC00  }
0x4e: {  	_ =	swait.ge [sflag:s15], $0x400  }
0x4f: {  	[sflag:s15] =	ssyncset.done $0x0  }
0x50: {  	s24 =	rddreg [dreg:$0xc];
	[sflag:s15] =	ssyncadd.s32 $0xFFFFFC00  }
0x51: {  	[tilespmem:s12], [sflag:$0x1] =	stream.indirect.gather [hbm4b:s4+s11], $0x8, s24, s11, $0xb8;
	[tilespmem:$0xE000] =	vst v63  }
0x52: {  	s7 =	rddreg [dreg:$0xd]  }
0x53: {  	[spmem:s2] =	stream.indirect.scatter.add.f32 [tilespmem:s14], [sflag:$0x3], $0x8, s7, s11, $0xb8;
	[tilespmem:$0xE000] =	vst v63  }
0x54: {  	_ =	swait.ge [sflag:s9], $0x400  }
0x55: {  	[sflag:s9] =	ssyncset.done $0x0  }
0x56: {  	[sflag:s9] =	ssyncadd.s32 $0xFFFFFC00  }
0x57: {  	_ =	swait.ge [sflag:s13], $0x400  }
0x58: {  	[sflag:s13] =	ssyncset.done $0x0  }
0x59: {  	s24 =	rddreg [dreg:$0xe];
	[sflag:s13] =	ssyncadd.s32 $0xFFFFFC00  }
0x5a: {  	[tilespmem:s14], [sflag:$0x2] =	stream.indirect.gather [hbm4b:s4+s11], $0x8, s24, s11, $0xb8;
	[tilespmem:$0xE000] =	vst v63  }
0x5b: {  	s7 =	rddreg [dreg:$0xf]  }
0x5c: {  	[spmem:s2] =	stream.indirect.scatter.add.f32 [tilespmem:s12], [sflag:$0x3], $0x8, s7, s11, $0xb8;
	[tilespmem:$0xE000] =	vst v63  }
0x5d: {  	_ =	swait.ge [sflag:s9], $0x400  }
0x5e: {  	[sflag:s9] =	ssyncset.done $0x0  }
0x5f: {  	[sflag:s9] =	ssyncadd.s32 $0xFFFFFC00  }
0x60: {  	_ =	swait.ge [sflag:s15], $0x400  }
0x61: {  	[sflag:s15] =	ssyncset.done $0x0  }
0x62: {  	s24 =	rddreg [dreg:$0x10];
	[sflag:s15] =	ssyncadd.s32 $0xFFFFFC00  }
0x63: {  	[tilespmem:s12], [sflag:$0x1] =	stream.indirect.gather [hbm4b:s4+s11], $0x8, s24, s11, $0xb8;
	[tilespmem:$0xE000] =	vst v63  }
0x64: {  	s7 =	rddreg [dreg:$0x11]  }
0x65: {  	[spmem:s2] =	stream.indirect.scatter.add.f32 [tilespmem:s14], [sflag:$0x3], $0x8, s7, s11, $0xb8;
	[tilespmem:$0xE000] =	vst v63  }
0x66: {  	_ =	swait.ge [sflag:s9], $0x400  }
0x67: {  	[sflag:s9] =	ssyncset.done $0x0  }
0x68: {  	[sflag:s9] =	ssyncadd.s32 $0xFFFFFC00  }
0x69: {  	_ =	swait.ge [sflag:s13], $0x400  }
0x6a: {  	[sflag:s13] =	ssyncset.done $0x0  }
0x6b: {  	s8 =	rddreg [dreg:$0x12];
	[sflag:s13] =	ssyncadd.s32 $0xFFFFFC00  }
0x6c: {  	[tilespmem:s14], [sflag:$0x2] =	stream.indirect.gather [hbm4b:s4+s11], $0x8, s8, s11, $0xb8;
	[tilespmem:$0xE000] =	vst v63  }
0x6d: {  	s24 =	rddreg [dreg:$0x13]  }
0x6e: {  	[spmem:s2] =	stream.indirect.scatter.add.f32 [tilespmem:s12], [sflag:$0x3], $0x8, s24, s11, $0xb8;
	[tilespmem:$0xE000] =	vst v63  }
0x6f: {  	_ =	swait.ge [sflag:s9], $0x400  }
0x70: {  	[sflag:s9] =	ssyncset.done $0x0  }
0x71: {  	[sflag:s9] =	ssyncadd.s32 $0xFFFFFC00  }
0x72: {  	_ =	swait.ge [sflag:s15], $0x400  }
0x73: {  	[sflag:s15] =	ssyncset.done $0x0  }
0x74: {  	[sflag:s15] =	ssyncadd.s32 $0xFFFFFC00  }
0x75: {  	[tilespmem:s12], [sflag:$0x1] =	stream.indirect.gather [hbm4b:s4+s11], $0x8, s16, s11, $0xb8;
	[tilespmem:$0xE000] =	vst v63  }
0x76: {  	_ = 	snop  }
0x77: {  	[spmem:s2] =	stream.indirect.scatter.add.f32 [tilespmem:s14], [sflag:$0x3], $0x8, s17, s11, $0xb8;
	[tilespmem:$0xE000] =	vst v63  }
0x78: {  	_ =	swait.ge [sflag:s9], $0x400  }
0x79: {  	[sflag:s9] =	ssyncset.done $0x0  }
0x7a: {  	[sflag:s9] =	ssyncadd.s32 $0xFFFFFC00  }
0x7b: {  	_ =	swait.ge [sflag:s13], $0x400  }
0x7c: {  	[sflag:s13] =	ssyncset.done $0x0  }
0x7d: {  	[sflag:s13] =	ssyncadd.s32 $0xFFFFFC00  }
0x7e: {  	[tilespmem:s14], [sflag:$0x2] =	stream.indirect.gather [hbm4b:s4+s11], $0x8, s18, s11, $0xb8;
	[tilespmem:$0xE000] =	vst v63  }
0x7f: {  	_ = 	snop  }
0x80: {  	[spmem:s2] =	stream.indirect.scatter.add.f32 [tilespmem:s12], [sflag:$0x3], $0x8, s19, s11, $0xb8;
	[tilespmem:$0xE000] =	vst v63  }
0x81: {  	_ =	swait.ge [sflag:s9], $0x400  }
0x82: {  	[sflag:s9] =	ssyncset.done $0x0  }
0x83: {  	[sflag:s9] =	ssyncadd.s32 $0xFFFFFC00  }
0x84: {  	_ =	swait.ge [sflag:s15], $0x400  }
0x85: {  	[sflag:s15] =	ssyncset.done $0x0  }
0x86: {  	[sflag:s15] =	ssyncadd.s32 $0xFFFFFC00  }
0x87: {  	[tilespmem:s12], [sflag:$0x1] =	stream.indirect.gather [hbm4b:s4+s11], $0x8, s20, s11, $0xb8;
	[tilespmem:$0xE000] =	vst v63  }
0x88: {  	_ = 	snop  }
0x89: {  	[spmem:s2] =	stream.indirect.scatter.add.f32 [tilespmem:s14], [sflag:$0x3], $0x8, s21, s11, $0xb8;
	[tilespmem:$0xE000] =	vst v63  }
0x8a: {  	_ =	swait.ge [sflag:s9], $0x400  }
0x8b: {  	[sflag:s9] =	ssyncset.done $0x0  }
0x8c: {  	[sflag:s9] =	ssyncadd.s32 $0xFFFFFC00  }
0x8d: {  	_ =	swait.ge [sflag:s13], $0x400  }
0x8e: {  	[sflag:s13] =	ssyncset.done $0x0  }
0x8f: {  	[sflag:s13] =	ssyncadd.s32 $0xFFFFFC00  }
0x90: {  	[tilespmem:s14], [sflag:$0x2] =	stream.indirect.gather [hbm4b:s4+s11], $0x8, s22, s11, $0xb8;
	[tilespmem:$0xE000] =	vst v63  }
0x91: {  	_ = 	snop  }
0x92: {  	[spmem:s2] =	stream.indirect.scatter.add.f32 [tilespmem:s12], [sflag:$0x3], $0x8, s23, s11, $0xb8;
	[tilespmem:$0xE000] =	vst v63  }
0x93: {  	_ =	swait.ge [sflag:s9], $0x400  }
0x94: {  	[sflag:s9] =	ssyncset.done $0x0  }
0x95: {  	[sflag:s9] =	ssyncadd.s32 $0xFFFFFC00  }
0x96: {  	_ =	swait.ge [sflag:s15], $0x400  }
0x97: {  	[sflag:s15] =	ssyncset.done $0x0  }
0x98: {  	[sflag:s15] =	ssyncadd.s32 $0xFFFFFC00  }
0x99: {  	[tilespmem:s12], [sflag:$0x1] =	stream.indirect.gather [hbm4b:s4+s11], $0x8, s25, s11, $0xb8;
	[tilespmem:$0xE000] =	vst v63  }
0x9a: {  	_ = 	snop  }
0x9b: {  	[spmem:s2] =	stream.indirect.scatter.add.f32 [tilespmem:s14], [sflag:$0x3], $0x8, s26, s11, $0xb8;
	[tilespmem:$0xE000] =	vst v63  }
0x9c: {  	_ =	swait.ge [sflag:s9], $0x400  }
0x9d: {  	[sflag:s9] =	ssyncset.done $0x0  }
0x9e: {  	[sflag:s9] =	ssyncadd.s32 $0xFFFFFC00  }
0x9f: {  	_ =	swait.ge [sflag:s13], $0x400  }
0xa0: {  	[sflag:s13] =	ssyncset.done $0x0  }
0xa1: {  	[sflag:s13] =	ssyncadd.s32 $0xFFFFFC00  }
0xa2: {  	[tilespmem:s14], [sflag:$0x2] =	stream.indirect.gather [hbm4b:s4+s11], $0x8, s28, s11, $0xb8;
	[tilespmem:$0xE000] =	vst v63  }
0xa3: {  	_ = 	snop  }
0xa4: {  	[spmem:s2] =	stream.indirect.scatter.add.f32 [tilespmem:s12], [sflag:$0x3], $0x8, s29, s11, $0xb8;
	[tilespmem:$0xE000] =	vst v63  }
0xa5: {  	_ =	swait.ge [sflag:s9], $0x400  }
0xa6: {  	[sflag:s9] =	ssyncset.done $0x0  }
0xa7: {  	[sflag:s9] =	ssyncadd.s32 $0xFFFFFC00  }
0xa8: {  	_ =	swait.ge [sflag:s15], $0x400  }
0xa9: {  	[sflag:s15] =	ssyncset.done $0x0  }
0xaa: {  	[sflag:s15] =	ssyncadd.s32 $0xFFFFFC00  }
0xab: {  	[tilespmem:s12], [sflag:$0x1] =	stream.indirect.gather [hbm4b:s4+s11], $0x8, s30, s11, $0xb8;
	[tilespmem:$0xE000] =	vst v63  }
0xac: {  	_ = 	snop  }
0xad: {  	[spmem:s2] =	stream.indirect.scatter.add.f32 [tilespmem:s14], [sflag:$0x3], $0x8, s31, s11, $0xb8;
	[tilespmem:$0xE000] =	vst v63  }
0xae: {  	_ =	swait.ge [sflag:s9], $0x400  }
0xaf: {  	[sflag:s9] =	ssyncset.done $0x0  }
0xb0: {  	[sflag:s9] =	ssyncadd.s32 $0xFFFFFC00  }
0xb1: {  	_ =	swait.ge [sflag:s13], $0x400  }
0xb2: {  	[sflag:s13] =	ssyncset.done $0x0  }
0xb3: {  	[sflag:s13] =	ssyncadd.s32 $0xFFFFFC00  }
0xb4: {  	[tilespmem:s14], [sflag:$0x2] =	stream.indirect.gather [hbm4b:s4+s11], $0x8, s0, s11, $0xb8;
	[tilespmem:$0xE000] =	vst v63  }
0xb5: {  	_ = 	snop  }
0xb6: {  	[spmem:s2] =	stream.indirect.scatter.add.f32 [tilespmem:s12], [sflag:$0x3], $0x8, s1, s11, $0xb8;
	[tilespmem:$0xE000] =	vst v63  }
0xb7: {  	_ =	swait.ge [sflag:s9], $0x400  }
0xb8: {  	[sflag:s9] =	ssyncset.done $0x0  }
0xb9: {  	[sflag:s9] =	ssyncadd.s32 $0xFFFFFC00  }
0xba: {  	_ =	swait.ge [sflag:s15], $0x400  }
0xbb: {  	[sflag:s15] =	ssyncset.done $0x0  }
0xbc: {  	[sflag:s15] =	ssyncadd.s32 $0xFFFFFC00  }
0xbd: {  	[spmem:s2] =	stream.indirect.scatter.add.f32 [tilespmem:s14], [sflag:$0x3], $0x8, s5, s11, $0xb8;
	[tilespmem:$0xE000] =	vst v63  }
0xbe: {  	s6 =	simm.s32 $0x200;
	_ =	swait.ge [sflag:s9], $0x400  }
0xbf: {  	s24 =	simm.s32 $0x100;
	s8 =	rddreg [dreg:$0x7];
	[sflag:s9] =	ssyncset.done $0x0  }
.LBB2_2:
0xc0: {  	[sflag:s9] =	ssyncadd.s32 $0xFFFFFC00;
	s8 =	sadd.s32 s24, s8  }
0xc1: {  	[tilespmem:s3], [sflag:$0x3] =	stream.linear.gather [hbm4b:s8+s3], $0x800, $0x38;
	[tilespmem:$0xE000] =	vst v63  }
0xc2: {  	_ =	swait.ge [sflag:s9], $0x800  }
0xc3: {  	s8 =	rddreg [dreg:$0x6];
	[sflag:s9] =	ssyncset.done $0x0  }
0xc4: {  	[sflag:s9] =	ssyncadd.s32 $0xFFFFF800;
	s8 =	sadd.s32 s24, s8  }
0xc5: {  	[tilespmem:s10], [sflag:$0x3] =	stream.linear.gather [hbm4b:s8+s3], $0x800, $0x38;
	[tilespmem:$0xE000] =	vst v63  }
0xc6: {  	_ =	swait.ge [sflag:s9], $0x800  }
0xc7: {  	[sflag:s9] =	ssyncset.done $0x0  }
0xc8: {  	[sflag:s9] =	ssyncadd.s32 $0xFFFFF800  }
0xc9: {  	[tilespmem:s12], [sflag:$0x1] =	stream.indirect.gather [hbm4b:s4+s11], $0x8, s3, s11, $0xb8;
	[tilespmem:$0xE000] =	vst v63  }
0xca: {  	_ =	swait.ge [sflag:s13], $0x400  }
0xcb: {  	[sflag:s13] =	ssyncset.done $0x0  }
0xcc: {  	[sflag:s13] =	ssyncadd.s32 $0xFFFFFC00  }
0xcd: {  	[tilespmem:s14], [sflag:$0x2] =	stream.indirect.gather [hbm4b:s4+s11], $0x8, s11, s11, $0xb8;
	[tilespmem:$0xE000] =	vst v63  }
0xce: {  	_ = 	snop  }
0xcf: {  	[spmem:s2] =	stream.indirect.scatter.add.f32 [tilespmem:s12], [sflag:$0x3], $0x8, s10, s11, $0xb8;
	[tilespmem:$0xE000] =	vst v63  }
0xd0: {  	_ =	swait.ge [sflag:s9], $0x400  }
0xd1: {  	[sflag:s9] =	ssyncset.done $0x0  }
0xd2: {  	[sflag:s9] =	ssyncadd.s32 $0xFFFFFC00  }
0xd3: {  	_ =	swait.ge [sflag:s15], $0x400  }
0xd4: {  	s7 =	smov.u32 s6;
	[sflag:s15] =	ssyncset.done $0x0  }
0xd5: {  	s24 =	smov.u32 s7;
	s7 =	rddreg [dreg:$0x8];
	[sflag:s15] =	ssyncadd.s32 $0xFFFFFC00  }
0xd6: {  	[tilespmem:s12], [sflag:$0x1] =	stream.indirect.gather [hbm4b:s4+s11], $0x8, s7, s11, $0xb8;
	[tilespmem:$0xE000] =	vst v63  }
0xd7: {  	s8 =	rddreg [dreg:$0x9]  }
0xd8: {  	[spmem:s2] =	stream.indirect.scatter.add.f32 [tilespmem:s14], [sflag:$0x3], $0x8, s8, s11, $0xb8;
	[tilespmem:$0xE000] =	vst v63  }
0xd9: {  	_ =	swait.ge [sflag:s9], $0x400  }
0xda: {  	[sflag:s9] =	ssyncset.done $0x0  }
0xdb: {  	[sflag:s9] =	ssyncadd.s32 $0xFFFFFC00  }
0xdc: {  	_ =	swait.ge [sflag:s13], $0x400  }
0xdd: {  	[sflag:s13] =	ssyncset.done $0x0  }
0xde: {  	s7 =	rddreg [dreg:$0xa];
	[sflag:s13] =	ssyncadd.s32 $0xFFFFFC00  }
0xdf: {  	[tilespmem:s14], [sflag:$0x2] =	stream.indirect.gather [hbm4b:s4+s11], $0x8, s7, s11, $0xb8;
	[tilespmem:$0xE000] =	vst v63  }
0xe0: {  	s8 =	rddreg [dreg:$0xb]  }
0xe1: {  	[spmem:s2] =	stream.indirect.scatter.add.f32 [tilespmem:s12], [sflag:$0x3], $0x8, s8, s11, $0xb8;
	[tilespmem:$0xE000] =	vst v63  }
0xe2: {  	_ =	swait.ge [sflag:s9], $0x400  }
0xe3: {  	[sflag:s9] =	ssyncset.done $0x0  }
0xe4: {  	[sflag:s9] =	ssyncadd.s32 $0xFFFFFC00  }
0xe5: {  	_ =	swait.ge [sflag:s15], $0x400  }
0xe6: {  	[sflag:s15] =	ssyncset.done $0x0  }
0xe7: {  	s7 =	rddreg [dreg:$0xc];
	[sflag:s15] =	ssyncadd.s32 $0xFFFFFC00  }
0xe8: {  	[tilespmem:s12], [sflag:$0x1] =	stream.indirect.gather [hbm4b:s4+s11], $0x8, s7, s11, $0xb8;
	[tilespmem:$0xE000] =	vst v63  }
0xe9: {  	s8 =	rddreg [dreg:$0xd]  }
0xea: {  	[spmem:s2] =	stream.indirect.scatter.add.f32 [tilespmem:s14], [sflag:$0x3], $0x8, s8, s11, $0xb8;
	[tilespmem:$0xE000] =	vst v63  }
0xeb: {  	_ =	swait.ge [sflag:s9], $0x400  }
0xec: {  	[sflag:s9] =	ssyncset.done $0x0  }
0xed: {  	[sflag:s9] =	ssyncadd.s32 $0xFFFFFC00  }
0xee: {  	_ =	swait.ge [sflag:s13], $0x400  }
0xef: {  	[sflag:s13] =	ssyncset.done $0x0  }
0xf0: {  	s7 =	rddreg [dreg:$0xe];
	[sflag:s13] =	ssyncadd.s32 $0xFFFFFC00  }
0xf1: {  	[tilespmem:s14], [sflag:$0x2] =	stream.indirect.gather [hbm4b:s4+s11], $0x8, s7, s11, $0xb8;
	[tilespmem:$0xE000] =	vst v63  }
0xf2: {  	s8 =	rddreg [dreg:$0xf]  }
0xf3: {  	[spmem:s2] =	stream.indirect.scatter.add.f32 [tilespmem:s12], [sflag:$0x3], $0x8, s8, s11, $0xb8;
	[tilespmem:$0xE000] =	vst v63  }
0xf4: {  	_ =	swait.ge [sflag:s9], $0x400  }
0xf5: {  	[sflag:s9] =	ssyncset.done $0x0  }
0xf6: {  	[sflag:s9] =	ssyncadd.s32 $0xFFFFFC00  }
0xf7: {  	_ =	swait.ge [sflag:s15], $0x400  }
0xf8: {  	[sflag:s15] =	ssyncset.done $0x0  }
0xf9: {  	s7 =	rddreg [dreg:$0x10];
	[sflag:s15] =	ssyncadd.s32 $0xFFFFFC00  }
0xfa: {  	[tilespmem:s12], [sflag:$0x1] =	stream.indirect.gather [hbm4b:s4+s11], $0x8, s7, s11, $0xb8;
	[tilespmem:$0xE000] =	vst v63  }
0xfb: {  	s8 =	rddreg [dreg:$0x11]  }
0xfc: {  	[spmem:s2] =	stream.indirect.scatter.add.f32 [tilespmem:s14], [sflag:$0x3], $0x8, s8, s11, $0xb8;
	[tilespmem:$0xE000] =	vst v63  }
0xfd: {  	_ =	swait.ge [sflag:s9], $0x400  }
0xfe: {  	[sflag:s9] =	ssyncset.done $0x0  }
0xff: {  	[sflag:s9] =	ssyncadd.s32 $0xFFFFFC00  }
0x100: {  	_ =	swait.ge [sflag:s13], $0x400  }
0x101: {  	[sflag:s13] =	ssyncset.done $0x0  }
0x102: {  	s7 =	rddreg [dreg:$0x12];
	[sflag:s13] =	ssyncadd.s32 $0xFFFFFC00  }
0x103: {  	[tilespmem:s14], [sflag:$0x2] =	stream.indirect.gather [hbm4b:s4+s11], $0x8, s7, s11, $0xb8;
	[tilespmem:$0xE000] =	vst v63  }
0x104: {  	s8 =	rddreg [dreg:$0x13]  }
0x105: {  	[spmem:s2] =	stream.indirect.scatter.add.f32 [tilespmem:s12], [sflag:$0x3], $0x8, s8, s11, $0xb8;
	[tilespmem:$0xE000] =	vst v63  }
0x106: {  	_ =	swait.ge [sflag:s9], $0x400  }
0x107: {  	[sflag:s9] =	ssyncset.done $0x0  }
0x108: {  	[sflag:s9] =	ssyncadd.s32 $0xFFFFFC00  }
0x109: {  	_ =	swait.ge [sflag:s15], $0x400  }
0x10a: {  	[sflag:s15] =	ssyncset.done $0x0  }
0x10b: {  	[sflag:s15] =	ssyncadd.s32 $0xFFFFFC00  }
0x10c: {  	[tilespmem:s12], [sflag:$0x1] =	stream.indirect.gather [hbm4b:s4+s11], $0x8, s16, s11, $0xb8;
	[tilespmem:$0xE000] =	vst v63  }
0x10d: {  	_ = 	snop  }
0x10e: {  	[spmem:s2] =	stream.indirect.scatter.add.f32 [tilespmem:s14], [sflag:$0x3], $0x8, s17, s11, $0xb8;
	[tilespmem:$0xE000] =	vst v63  }
0x10f: {  	_ =	swait.ge [sflag:s9], $0x400  }
0x110: {  	[sflag:s9] =	ssyncset.done $0x0  }
0x111: {  	[sflag:s9] =	ssyncadd.s32 $0xFFFFFC00  }
0x112: {  	_ =	swait.ge [sflag:s13], $0x400  }
0x113: {  	[sflag:s13] =	ssyncset.done $0x0  }
0x114: {  	[sflag:s13] =	ssyncadd.s32 $0xFFFFFC00  }
0x115: {  	[tilespmem:s14], [sflag:$0x2] =	stream.indirect.gather [hbm4b:s4+s11], $0x8, s18, s11, $0xb8;
	[tilespmem:$0xE000] =	vst v63  }
0x116: {  	_ = 	snop  }
0x117: {  	[spmem:s2] =	stream.indirect.scatter.add.f32 [tilespmem:s12], [sflag:$0x3], $0x8, s19, s11, $0xb8;
	[tilespmem:$0xE000] =	vst v63  }
0x118: {  	_ =	swait.ge [sflag:s9], $0x400  }
0x119: {  	[sflag:s9] =	ssyncset.done $0x0  }
0x11a: {  	[sflag:s9] =	ssyncadd.s32 $0xFFFFFC00  }
0x11b: {  	_ =	swait.ge [sflag:s15], $0x400  }
0x11c: {  	[sflag:s15] =	ssyncset.done $0x0  }
0x11d: {  	[sflag:s15] =	ssyncadd.s32 $0xFFFFFC00  }
0x11e: {  	[tilespmem:s12], [sflag:$0x1] =	stream.indirect.gather [hbm4b:s4+s11], $0x8, s20, s11, $0xb8;
	[tilespmem:$0xE000] =	vst v63  }
0x11f: {  	_ = 	snop  }
0x120: {  	[spmem:s2] =	stream.indirect.scatter.add.f32 [tilespmem:s14], [sflag:$0x3], $0x8, s21, s11, $0xb8;
	[tilespmem:$0xE000] =	vst v63  }
0x121: {  	_ =	swait.ge [sflag:s9], $0x400  }
0x122: {  	[sflag:s9] =	ssyncset.done $0x0  }
0x123: {  	[sflag:s9] =	ssyncadd.s32 $0xFFFFFC00  }
0x124: {  	_ =	swait.ge [sflag:s13], $0x400  }
0x125: {  	[sflag:s13] =	ssyncset.done $0x0  }
0x126: {  	[sflag:s13] =	ssyncadd.s32 $0xFFFFFC00  }
0x127: {  	[tilespmem:s14], [sflag:$0x2] =	stream.indirect.gather [hbm4b:s4+s11], $0x8, s22, s11, $0xb8;
	[tilespmem:$0xE000] =	vst v63  }
0x128: {  	_ = 	snop  }
0x129: {  	[spmem:s2] =	stream.indirect.scatter.add.f32 [tilespmem:s12], [sflag:$0x3], $0x8, s23, s11, $0xb8;
	[tilespmem:$0xE000] =	vst v63  }
0x12a: {  	_ =	swait.ge [sflag:s9], $0x400  }
0x12b: {  	[sflag:s9] =	ssyncset.done $0x0  }
0x12c: {  	[sflag:s9] =	ssyncadd.s32 $0xFFFFFC00  }
0x12d: {  	_ =	swait.ge [sflag:s15], $0x400  }
0x12e: {  	[sflag:s15] =	ssyncset.done $0x0  }
0x12f: {  	[sflag:s15] =	ssyncadd.s32 $0xFFFFFC00  }
0x130: {  	[tilespmem:s12], [sflag:$0x1] =	stream.indirect.gather [hbm4b:s4+s11], $0x8, s25, s11, $0xb8;
	[tilespmem:$0xE000] =	vst v63  }
0x131: {  	_ = 	snop  }
0x132: {  	[spmem:s2] =	stream.indirect.scatter.add.f32 [tilespmem:s14], [sflag:$0x3], $0x8, s26, s11, $0xb8;
	[tilespmem:$0xE000] =	vst v63  }
0x133: {  	_ =	swait.ge [sflag:s9], $0x400  }
0x134: {  	[sflag:s9] =	ssyncset.done $0x0  }
0x135: {  	[sflag:s9] =	ssyncadd.s32 $0xFFFFFC00  }
0x136: {  	_ =	swait.ge [sflag:s13], $0x400  }
0x137: {  	[sflag:s13] =	ssyncset.done $0x0  }
0x138: {  	[sflag:s13] =	ssyncadd.s32 $0xFFFFFC00  }
0x139: {  	[tilespmem:s14], [sflag:$0x2] =	stream.indirect.gather [hbm4b:s4+s11], $0x8, s28, s11, $0xb8;
	[tilespmem:$0xE000] =	vst v63  }
0x13a: {  	_ = 	snop  }
0x13b: {  	[spmem:s2] =	stream.indirect.scatter.add.f32 [tilespmem:s12], [sflag:$0x3], $0x8, s29, s11, $0xb8;
	[tilespmem:$0xE000] =	vst v63  }
0x13c: {  	_ =	swait.ge [sflag:s9], $0x400  }
0x13d: {  	[sflag:s9] =	ssyncset.done $0x0  }
0x13e: {  	[sflag:s9] =	ssyncadd.s32 $0xFFFFFC00  }
0x13f: {  	_ =	swait.ge [sflag:s15], $0x400  }
0x140: {  	[sflag:s15] =	ssyncset.done $0x0  }
0x141: {  	[sflag:s15] =	ssyncadd.s32 $0xFFFFFC00  }
0x142: {  	[tilespmem:s12], [sflag:$0x1] =	stream.indirect.gather [hbm4b:s4+s11], $0x8, s30, s11, $0xb8;
	[tilespmem:$0xE000] =	vst v63  }
0x143: {  	_ = 	snop  }
0x144: {  	[spmem:s2] =	stream.indirect.scatter.add.f32 [tilespmem:s14], [sflag:$0x3], $0x8, s31, s11, $0xb8;
	[tilespmem:$0xE000] =	vst v63  }
0x145: {  	_ =	swait.ge [sflag:s9], $0x400  }
0x146: {  	[sflag:s9] =	ssyncset.done $0x0  }
0x147: {  	[sflag:s9] =	ssyncadd.s32 $0xFFFFFC00  }
0x148: {  	_ =	swait.ge [sflag:s13], $0x400  }
0x149: {  	[sflag:s13] =	ssyncset.done $0x0  }
0x14a: {  	[sflag:s13] =	ssyncadd.s32 $0xFFFFFC00  }
0x14b: {  	[tilespmem:s14], [sflag:$0x2] =	stream.indirect.gather [hbm4b:s4+s11], $0x8, s0, s11, $0xb8;
	[tilespmem:$0xE000] =	vst v63  }
0x14c: {  	_ = 	snop  }
0x14d: {  	[spmem:s2] =	stream.indirect.scatter.add.f32 [tilespmem:s12], [sflag:$0x3], $0x8, s1, s11, $0xb8;
	[tilespmem:$0xE000] =	vst v63  }
0x14e: {  	_ =	swait.ge [sflag:s9], $0x400  }
0x14f: {  	[sflag:s9] =	ssyncset.done $0x0  }
0x150: {  	[sflag:s9] =	ssyncadd.s32 $0xFFFFFC00  }
0x151: {  	p0 =	sne.s32 s6, $0x1800;
	_ =	swait.ge [sflag:s15], $0x400  }
.Ltmp0:
0x152: {  	[sflag:s15] =	ssyncset.done $0x0;
	(pc) =	sbr.rel @p0 .LBB2_2-.Ltmp0, $4  }
0x153: {  	[sflag:s15] =	ssyncadd.s32 $0xFFFFFC00  }
0x154: {  	[spmem:s2] =	stream.indirect.scatter.add.f32 [tilespmem:s14], [sflag:$0x3], $0x8, s5, s11, $0xb8;
	[tilespmem:$0xE000] =	vst v63  }
0x155: {  	_ =	swait.ge [sflag:s9], $0x400  }
0x156: {  	s6 =	sadd.s32 $0x100, s6;
	s8 =	rddreg [dreg:$0x7];
	[sflag:s9] =	ssyncset.done $0x0  }
0x157: {  	[sflag:s9] =	ssyncadd.s32 $0xFFFFFC00;
	s6 =	sadd.s32 s24, s8  }
0x158: {  	[tilespmem:s3], [sflag:$0x3] =	stream.linear.gather [hbm4b:s6+s3], $0x800, $0x38;
	[tilespmem:$0xE000] =	vst v63  }
0x159: {  	_ =	swait.ge [sflag:s9], $0x800  }
0x15a: {  	s8 =	rddreg [dreg:$0x6];
	[sflag:s9] =	ssyncset.done $0x0  }
0x15b: {  	[sflag:s9] =	ssyncadd.s32 $0xFFFFF800;
	s6 =	sadd.s32 s24, s8  }
0x15c: {  	[tilespmem:s10], [sflag:$0x3] =	stream.linear.gather [hbm4b:s6+s3], $0x800, $0x38;
	[tilespmem:$0xE000] =	vst v63  }
0x15d: {  	_ =	swait.ge [sflag:s9], $0x800  }
0x15e: {  	[sflag:s9] =	ssyncset.done $0x0  }
0x15f: {  	[sflag:s9] =	ssyncadd.s32 $0xFFFFF800  }
0x160: {  	[tilespmem:s12], [sflag:$0x1] =	stream.indirect.gather [hbm4b:s4+s11], $0x8, s3, s11, $0xb8;
	[tilespmem:$0xE000] =	vst v63  }
0x161: {  	_ =	swait.ge [sflag:s13], $0x400  }
0x162: {  	[sflag:s13] =	ssyncset.done $0x0  }
0x163: {  	[sflag:s13] =	ssyncadd.s32 $0xFFFFFC00  }
0x164: {  	[tilespmem:s14], [sflag:$0x2] =	stream.indirect.gather [hbm4b:s4+s11], $0x8, s11, s11, $0xb8;
	[tilespmem:$0xE000] =	vst v63  }
0x165: {  	_ = 	snop  }
0x166: {  	[spmem:s2] =	stream.indirect.scatter.add.f32 [tilespmem:s12], [sflag:$0x3], $0x8, s10, s11, $0xb8;
	[tilespmem:$0xE000] =	vst v63  }
0x167: {  	_ =	swait.ge [sflag:s9], $0x400  }
0x168: {  	[sflag:s9] =	ssyncset.done $0x0  }
0x169: {  	[sflag:s9] =	ssyncadd.s32 $0xFFFFFC00  }
0x16a: {  	_ =	swait.ge [sflag:s15], $0x400  }
0x16b: {  	[sflag:s15] =	ssyncset.done $0x0  }
0x16c: {  	s24 =	rddreg [dreg:$0x8];
	[sflag:s15] =	ssyncadd.s32 $0xFFFFFC00  }
0x16d: {  	[tilespmem:s12], [sflag:$0x1] =	stream.indirect.gather [hbm4b:s4+s11], $0x8, s24, s11, $0xb8;
	[tilespmem:$0xE000] =	vst v63  }
0x16e: {  	s7 =	rddreg [dreg:$0x9]  }
0x16f: {  	[spmem:s2] =	stream.indirect.scatter.add.f32 [tilespmem:s14], [sflag:$0x3], $0x8, s7, s11, $0xb8;
	[tilespmem:$0xE000] =	vst v63  }
0x170: {  	_ =	swait.ge [sflag:s9], $0x400  }
0x171: {  	[sflag:s9] =	ssyncset.done $0x0  }
0x172: {  	[sflag:s9] =	ssyncadd.s32 $0xFFFFFC00  }
0x173: {  	_ =	swait.ge [sflag:s13], $0x400  }
0x174: {  	[sflag:s13] =	ssyncset.done $0x0  }
0x175: {  	s8 =	rddreg [dreg:$0xa];
	[sflag:s13] =	ssyncadd.s32 $0xFFFFFC00  }
0x176: {  	[tilespmem:s14], [sflag:$0x2] =	stream.indirect.gather [hbm4b:s4+s11], $0x8, s8, s11, $0xb8;
	[tilespmem:$0xE000] =	vst v63  }
0x177: {  	s24 =	rddreg [dreg:$0xb]  }
0x178: {  	[spmem:s2] =	stream.indirect.scatter.add.f32 [tilespmem:s12], [sflag:$0x3], $0x8, s24, s11, $0xb8;
	[tilespmem:$0xE000] =	vst v63  }
0x179: {  	_ =	swait.ge [sflag:s9], $0x400  }
0x17a: {  	[sflag:s9] =	ssyncset.done $0x0  }
0x17b: {  	[sflag:s9] =	ssyncadd.s32 $0xFFFFFC00  }
0x17c: {  	_ =	swait.ge [sflag:s15], $0x400  }
0x17d: {  	[sflag:s15] =	ssyncset.done $0x0  }
0x17e: {  	s8 =	rddreg [dreg:$0xc];
	[sflag:s15] =	ssyncadd.s32 $0xFFFFFC00  }
0x17f: {  	[tilespmem:s12], [sflag:$0x1] =	stream.indirect.gather [hbm4b:s4+s11], $0x8, s8, s11, $0xb8;
	[tilespmem:$0xE000] =	vst v63  }
0x180: {  	s24 =	rddreg [dreg:$0xd]  }
0x181: {  	[spmem:s2] =	stream.indirect.scatter.add.f32 [tilespmem:s14], [sflag:$0x3], $0x8, s24, s11, $0xb8;
	[tilespmem:$0xE000] =	vst v63  }
0x182: {  	_ =	swait.ge [sflag:s9], $0x400  }
0x183: {  	[sflag:s9] =	ssyncset.done $0x0  }
0x184: {  	[sflag:s9] =	ssyncadd.s32 $0xFFFFFC00  }
0x185: {  	_ =	swait.ge [sflag:s13], $0x400  }
0x186: {  	[sflag:s13] =	ssyncset.done $0x0  }
0x187: {  	s8 =	rddreg [dreg:$0xe];
	[sflag:s13] =	ssyncadd.s32 $0xFFFFFC00  }
0x188: {  	[tilespmem:s14], [sflag:$0x2] =	stream.indirect.gather [hbm4b:s4+s11], $0x8, s8, s11, $0xb8;
	[tilespmem:$0xE000] =	vst v63  }
0x189: {  	s24 =	rddreg [dreg:$0xf]  }
0x18a: {  	[spmem:s2] =	stream.indirect.scatter.add.f32 [tilespmem:s12], [sflag:$0x3], $0x8, s24, s11, $0xb8;
	[tilespmem:$0xE000] =	vst v63  }
0x18b: {  	_ =	swait.ge [sflag:s9], $0x400  }
0x18c: {  	[sflag:s9] =	ssyncset.done $0x0  }
0x18d: {  	[sflag:s9] =	ssyncadd.s32 $0xFFFFFC00  }
0x18e: {  	_ =	swait.ge [sflag:s15], $0x400  }
0x18f: {  	[sflag:s15] =	ssyncset.done $0x0  }
0x190: {  	s8 =	rddreg [dreg:$0x10];
	[sflag:s15] =	ssyncadd.s32 $0xFFFFFC00  }
0x191: {  	[tilespmem:s12], [sflag:$0x1] =	stream.indirect.gather [hbm4b:s4+s11], $0x8, s8, s11, $0xb8;
	[tilespmem:$0xE000] =	vst v63  }
0x192: {  	s24 =	rddreg [dreg:$0x11]  }
0x193: {  	[spmem:s2] =	stream.indirect.scatter.add.f32 [tilespmem:s14], [sflag:$0x3], $0x8, s24, s11, $0xb8;
	[tilespmem:$0xE000] =	vst v63  }
0x194: {  	_ =	swait.ge [sflag:s9], $0x400  }
0x195: {  	[sflag:s9] =	ssyncset.done $0x0  }
0x196: {  	[sflag:s9] =	ssyncadd.s32 $0xFFFFFC00  }
0x197: {  	_ =	swait.ge [sflag:s13], $0x400  }
0x198: {  	[sflag:s13] =	ssyncset.done $0x0  }
0x199: {  	s7 =	rddreg [dreg:$0x12];
	[sflag:s13] =	ssyncadd.s32 $0xFFFFFC00  }
0x19a: {  	[tilespmem:s14], [sflag:$0x2] =	stream.indirect.gather [hbm4b:s4+s11], $0x8, s7, s11, $0xb8;
	[tilespmem:$0xE000] =	vst v63  }
0x19b: {  	s8 =	rddreg [dreg:$0x13]  }
0x19c: {  	[spmem:s2] =	stream.indirect.scatter.add.f32 [tilespmem:s12], [sflag:$0x3], $0x8, s8, s11, $0xb8;
	[tilespmem:$0xE000] =	vst v63  }
0x19d: {  	_ =	swait.ge [sflag:s9], $0x400  }
0x19e: {  	[sflag:s9] =	ssyncset.done $0x0  }
0x19f: {  	[sflag:s9] =	ssyncadd.s32 $0xFFFFFC00  }
0x1a0: {  	_ =	swait.ge [sflag:s15], $0x400  }
0x1a1: {  	[sflag:s15] =	ssyncset.done $0x0  }
0x1a2: {  	[sflag:s15] =	ssyncadd.s32 $0xFFFFFC00  }
0x1a3: {  	[tilespmem:s12], [sflag:$0x1] =	stream.indirect.gather [hbm4b:s4+s11], $0x8, s16, s11, $0xb8;
	[tilespmem:$0xE000] =	vst v63  }
0x1a4: {  	_ = 	snop  }
0x1a5: {  	[spmem:s2] =	stream.indirect.scatter.add.f32 [tilespmem:s14], [sflag:$0x3], $0x8, s17, s11, $0xb8;
	[tilespmem:$0xE000] =	vst v63  }
0x1a6: {  	_ =	swait.ge [sflag:s9], $0x400  }
0x1a7: {  	[sflag:s9] =	ssyncset.done $0x0  }
0x1a8: {  	[sflag:s9] =	ssyncadd.s32 $0xFFFFFC00  }
0x1a9: {  	_ =	swait.ge [sflag:s13], $0x400  }
0x1aa: {  	[sflag:s13] =	ssyncset.done $0x0  }
0x1ab: {  	[sflag:s13] =	ssyncadd.s32 $0xFFFFFC00  }
0x1ac: {  	[tilespmem:s14], [sflag:$0x2] =	stream.indirect.gather [hbm4b:s4+s11], $0x8, s18, s11, $0xb8;
	[tilespmem:$0xE000] =	vst v63  }
0x1ad: {  	_ = 	snop  }
0x1ae: {  	[spmem:s2] =	stream.indirect.scatter.add.f32 [tilespmem:s12], [sflag:$0x3], $0x8, s19, s11, $0xb8;
	[tilespmem:$0xE000] =	vst v63  }
0x1af: {  	_ =	swait.ge [sflag:s9], $0x400  }
0x1b0: {  	[sflag:s9] =	ssyncset.done $0x0  }
0x1b1: {  	[sflag:s9] =	ssyncadd.s32 $0xFFFFFC00  }
0x1b2: {  	_ =	swait.ge [sflag:s15], $0x400  }
0x1b3: {  	[sflag:s15] =	ssyncset.done $0x0  }
0x1b4: {  	[sflag:s15] =	ssyncadd.s32 $0xFFFFFC00  }
0x1b5: {  	[tilespmem:s12], [sflag:$0x1] =	stream.indirect.gather [hbm4b:s4+s11], $0x8, s20, s11, $0xb8;
	[tilespmem:$0xE000] =	vst v63  }
0x1b6: {  	_ = 	snop  }
0x1b7: {  	[spmem:s2] =	stream.indirect.scatter.add.f32 [tilespmem:s14], [sflag:$0x3], $0x8, s21, s11, $0xb8;
	[tilespmem:$0xE000] =	vst v63  }
0x1b8: {  	_ =	swait.ge [sflag:s9], $0x400  }
0x1b9: {  	[sflag:s9] =	ssyncset.done $0x0  }
0x1ba: {  	[sflag:s9] =	ssyncadd.s32 $0xFFFFFC00  }
0x1bb: {  	_ =	swait.ge [sflag:s13], $0x400  }
0x1bc: {  	[sflag:s13] =	ssyncset.done $0x0  }
0x1bd: {  	[sflag:s13] =	ssyncadd.s32 $0xFFFFFC00  }
0x1be: {  	[tilespmem:s14], [sflag:$0x2] =	stream.indirect.gather [hbm4b:s4+s11], $0x8, s22, s11, $0xb8;
	[tilespmem:$0xE000] =	vst v63  }
0x1bf: {  	_ = 	snop  }
0x1c0: {  	[spmem:s2] =	stream.indirect.scatter.add.f32 [tilespmem:s12], [sflag:$0x3], $0x8, s23, s11, $0xb8;
	[tilespmem:$0xE000] =	vst v63  }
0x1c1: {  	_ =	swait.ge [sflag:s9], $0x400  }
0x1c2: {  	[sflag:s9] =	ssyncset.done $0x0  }
0x1c3: {  	[sflag:s9] =	ssyncadd.s32 $0xFFFFFC00  }
0x1c4: {  	_ =	swait.ge [sflag:s15], $0x400  }
0x1c5: {  	[sflag:s15] =	ssyncset.done $0x0  }
0x1c6: {  	[sflag:s15] =	ssyncadd.s32 $0xFFFFFC00  }
0x1c7: {  	[tilespmem:s12], [sflag:$0x1] =	stream.indirect.gather [hbm4b:s4+s11], $0x8, s25, s11, $0xb8;
	[tilespmem:$0xE000] =	vst v63  }
0x1c8: {  	_ = 	snop  }
0x1c9: {  	[spmem:s2] =	stream.indirect.scatter.add.f32 [tilespmem:s14], [sflag:$0x3], $0x8, s26, s11, $0xb8;
	[tilespmem:$0xE000] =	vst v63  }
0x1ca: {  	_ =	swait.ge [sflag:s9], $0x400  }
0x1cb: {  	[sflag:s9] =	ssyncset.done $0x0  }
0x1cc: {  	[sflag:s9] =	ssyncadd.s32 $0xFFFFFC00  }
0x1cd: {  	_ =	swait.ge [sflag:s13], $0x400  }
0x1ce: {  	[sflag:s13] =	ssyncset.done $0x0  }
0x1cf: {  	[sflag:s13] =	ssyncadd.s32 $0xFFFFFC00  }
0x1d0: {  	[tilespmem:s14], [sflag:$0x2] =	stream.indirect.gather [hbm4b:s4+s11], $0x8, s28, s11, $0xb8;
	[tilespmem:$0xE000] =	vst v63  }
0x1d1: {  	_ = 	snop  }
0x1d2: {  	[spmem:s2] =	stream.indirect.scatter.add.f32 [tilespmem:s12], [sflag:$0x3], $0x8, s29, s11, $0xb8;
	[tilespmem:$0xE000] =	vst v63  }
0x1d3: {  	_ =	swait.ge [sflag:s9], $0x400  }
0x1d4: {  	[sflag:s9] =	ssyncset.done $0x0  }
0x1d5: {  	[sflag:s9] =	ssyncadd.s32 $0xFFFFFC00  }
0x1d6: {  	_ =	swait.ge [sflag:s15], $0x400  }
0x1d7: {  	[sflag:s15] =	ssyncset.done $0x0  }
0x1d8: {  	[sflag:s15] =	ssyncadd.s32 $0xFFFFFC00  }
0x1d9: {  	[tilespmem:s12], [sflag:$0x1] =	stream.indirect.gather [hbm4b:s4+s11], $0x8, s30, s11, $0xb8;
	[tilespmem:$0xE000] =	vst v63  }
0x1da: {  	_ = 	snop  }
0x1db: {  	[spmem:s2] =	stream.indirect.scatter.add.f32 [tilespmem:s14], [sflag:$0x3], $0x8, s31, s11, $0xb8;
	[tilespmem:$0xE000] =	vst v63  }
0x1dc: {  	_ =	swait.ge [sflag:s9], $0x400  }
0x1dd: {  	[sflag:s9] =	ssyncset.done $0x0  }
0x1de: {  	[sflag:s9] =	ssyncadd.s32 $0xFFFFFC00  }
0x1df: {  	_ =	swait.ge [sflag:s13], $0x400  }
0x1e0: {  	[sflag:s13] =	ssyncset.done $0x0  }
0x1e1: {  	[sflag:s13] =	ssyncadd.s32 $0xFFFFFC00  }
0x1e2: {  	[tilespmem:s14], [sflag:$0x2] =	stream.indirect.gather [hbm4b:s4+s11], $0x8, s0, s11, $0xb8;
	[tilespmem:$0xE000] =	vst v63  }
0x1e3: {  	_ = 	snop  }
0x1e4: {  	[spmem:s2] =	stream.indirect.scatter.add.f32 [tilespmem:s12], [sflag:$0x3], $0x8, s1, s11, $0xb8;
	[tilespmem:$0xE000] =	vst v63  }
0x1e5: {  	_ =	swait.ge [sflag:s9], $0x400  }
0x1e6: {  	[sflag:s9] =	ssyncset.done $0x0  }
0x1e7: {  	[sflag:s9] =	ssyncadd.s32 $0xFFFFFC00  }
0x1e8: {  	_ =	swait.ge [sflag:s15], $0x400  }
0x1e9: {  	[sflag:s15] =	ssyncset.done $0x0  }
0x1ea: {  	[sflag:s15] =	ssyncadd.s32 $0xFFFFFC00  }
0x1eb: {  	[spmem:s2] =	stream.indirect.scatter.add.f32 [tilespmem:s14], [sflag:$0x3], $0x8, s5, s11, $0xb8;
	[tilespmem:$0xE000] =	vst v63  }
0x1ec: {  	_ =	swait.ge [sflag:s9], $0x400  }
0x1ed: {  	[sflag:s9] =	ssyncset.done $0x0  }
0x1ee: {  	[sflag:s9] =	ssyncadd.s32 $0xFFFFFC00  }
0x1ef: {  	[bflag:$0x0] =	sbarrier.arrive $0xFFFF  }
0x1f0: {  	s7 =	rddreg [dreg:$0x15]  }
0x1f1: {  	s8 =	rddreg [dreg:$0x17]  }
0x1f2: {  	s24 =	rddreg [dreg:$0x18]  }
0x1f3: {  	[hbm:s24], [sflag:s7] =	dma.local [spmem:s8], $0x1900  }
0x1f4: {  	_ =	swait.ge [sflag:s9], $0x1900  }
0x1f5: {  	s6 =	rddreg [dreg:$0x19]  }
0x1f6: {  	s24 =	sadd.s32 $0x1, s6;
	s6 =	rddreg [dreg:$0x16]  }
0x1f7: {  	p0 =	sne.s32 s24, s6  }
.Ltmp1:
0x1f8: {  	_ = 	snop;
	(pc) =	sbr.rel @p0 .LBB2_1-.Ltmp1, $3  }
0x1f9: {  	_ =	sdelay $0x1  }
0x1fa: {  	[sflag:s9] =	ssyncset.done $0x0  }
0x1fb: {  	[sflag:s9] =	ssyncadd.s32 $0xFFFFE700  }
0x1fc: {  	_ =	sfence.sel $0x180000  }
0x1fd: {  	[bflag:$0x0] =	sbarrier.arrive $0xFFFF  }
0x1fe: {  	_ =	strace $0x90000047  }
0x1ff: {  	s0 =	stileid.u32;
	[bflag:$0x2] =	sbarrier.arrive $0xFFFF  }
0x200: {  	p0 =	sne.s32 s0, $0x0;
	s0 =	rddreg [dreg:$0x5]  }
0x201: {  	s0 =	sadd.s32 @!p0 $0x100000, s0  }
0x202: {  	[sflag:s0] =	ssyncadd.tile.s32 @!p0 $0x1;
	_ =	shalt  }
.Lfunc_end2:
_tile_overlayer_lowered:
.L_overlay_start_2:
0x203: {  	(tag) =	ssettag $0x2  }
0x204: {  	s0 =	rddreg [dreg:$0x0];
	s2 =	stileid.u32  }
0x205: {  	s1 =	rddreg [dreg:$0x1];
	p0 =	sne.s32 s2, $0x0  }
0x206: {  	s3 =	rddreg [dreg:$0x2];
	[bflag:$0x3] =	sbarrier.arrive $0xFFFF;
	s2 =	simm.s32 @!p0 $0x1C03  }
0x207: {  	[timem:s3], [sflag:s2] =	dma.local @!p0 [hbm:s0], s1  }
0x208: {  	s0 =	simm.s32 @!p0 $0x3  }
0x209: {  	_ =	swait.ge @!p0 [sflag:s0], s1  }
0x20a: {  	s1 =	ssub.s32 @!p0 $0x0, s1;
	[sflag:s0] =	ssyncset.done @!p0 $0x0  }
0x20b: {  	[sflag:s0] =	ssyncadd.s32 @!p0 s1  }
0x20c: {  	[bflag:$0x3] =	sbarrier.arrive $0xFFFF  }
0x20d: {  	_ =	shalt  }

</sc_bundles>
